<compile_context>
chip_gen: v7x
topology: tpu7x:2x2x1
jax: 0.10.2.dev20260603
libtpu: 0.0.44.dev20260713+nightly
codegen_flags: <defaults>
</compile_context>

<pallas_src>
import functools

import jax
import jax.numpy as jnp
from jax import lax
from jax.experimental import pallas as pl
from jax.experimental.pallas import tpu as pltpu
from jax.experimental.pallas import tpu_sc as plsc

N = 10000
E = 320000
D = 128
C = 128

NUM_CORES = 2
NUM_SUBCORES = 16
NW = NUM_CORES * NUM_SUBCORES
CPW = D // NW
CHUNK = 12800
NCH = E // CHUNK
U = 10
LANES = 16


def _round_bf16_bits(v):
    r = (lax.shift_right_logical(v, 16) & 1) + 0x7FFF
    return lax.shift_right_logical(v + r, 16)


def _tr_body(x_ref, ei_ref, o_ref, p_ref):
    r2 = 2 * lax.broadcasted_iota(jnp.int32, (D // 2, D), 0)
    cc = lax.broadcasted_iota(jnp.int32, (D // 2, D), 1)
    pe = (cc == r2).astype(jnp.float32)
    po = (cc == r2 + 1).astype(jnp.float32)
    x = x_ref[...]
    dn = (((1,), (1,)), ((), ()))
    e_f = lax.dot_general(pe, x, dn, preferred_element_type=jnp.float32)
    o_f = lax.dot_general(po, x, dn, preferred_element_type=jnp.float32)
    e = _round_bf16_bits(lax.bitcast_convert_type(e_f, jnp.int32))
    o = _round_bf16_bits(lax.bitcast_convert_type(o_f, jnp.int32))
    o_ref[...] = e | (o << 16)
    p_ref[...] = ei_ref[0, :] | (ei_ref[1, :] << 16)


def _transpose_pack_tc(x, edge_index):
    return pl.pallas_call(
        _tr_body,
        out_shape=(
            jax.ShapeDtypeStruct((D // 2, N), jnp.int32),
            jax.ShapeDtypeStruct((E,), jnp.int32),
        ),
    )(x, edge_index)


def _sc_agg_body(xT_hbm, pk_hbm, ew_hbm, agg_hbm, xp0, xp1,
                 a0, a1, a2, a3, pk_v, ew_v, sem, xsem):
    wid = lax.axis_index("s") * NUM_CORES + lax.axis_index("c")
    c0 = wid * CPW
    arefs = (a0, a1, a2, a3)
    xprefs = (xp0, xp1)

    xcopies = [
        pltpu.make_async_copy(
            xT_hbm.at[pl.ds((2 * wid + j) * N, N)], xprefs[j], xsem)
        for j in range(2)
    ]
    for cp in xcopies:
        cp.start()

    zero = jnp.zeros((LANES,), jnp.float32)
    ZU = 5

    def zbody(i, carry):
        for u in range(ZU):
            off = (i * ZU + u) * LANES
            for ar in arefs:
                ar[pl.ds(off, LANES)] = zero
        return carry

    lax.fori_loop(0, N // (LANES * ZU), zbody, 0)

    for cp in xcopies:
        cp.wait()

    def _edge_copies(i, buf):
        off = i * CHUNK
        voff = buf * CHUNK
        return (
            pltpu.make_async_copy(
                pk_hbm.at[pl.ds(off, CHUNK)], pk_v.at[pl.ds(voff, CHUNK)], sem),
            pltpu.make_async_copy(
                ew_hbm.at[pl.ds(off, CHUNK)], ew_v.at[pl.ds(voff, CHUNK)], sem),
        )

    def _issue(i, buf):
        for cp in _edge_copies(i, buf):
            cp.start()

    _issue(0, 0)

    def chunk_body(i, carry):
        buf = jnp.bitwise_and(i, 1)
        voff = buf * CHUNK
        for cp in _edge_copies(i, buf):
            cp.wait()

        @pl.when(i + 1 < NCH)
        def _prefetch():
            _issue(i + 1, 1 - buf)

        @plsc.parallel_loop(0, CHUNK // LANES, unroll=U)
        def gbody(g):
            base = voff + g * LANES
            p = pk_v[pl.ds(base, LANES)]
            s = p & 0xFFFF
            dd = lax.shift_right_logical(p, 16)
            w = ew_v[pl.ds(base, LANES)]
            for j in range(2):
                g2 = plsc.load_gather(xprefs[j], [s])
                lo, hi = plsc.unpack(
                    plsc.bitcast(g2, jnp.bfloat16),
                    format=plsc.PackFormat.INTERLEAVED,
                    preferred_element_type=jnp.float32,
                )
                plsc.addupdate_scatter(arefs[2 * j], [dd], lo * w)
                plsc.addupdate_scatter(arefs[2 * j + 1], [dd], hi * w)

        return carry

    lax.fori_loop(0, NCH, chunk_body, 0)

    for c in range(CPW):
        pltpu.sync_copy(arefs[c], agg_hbm.at[pl.ds((c0 + c) * N, N)])


def _sc_agg(xT, packed, edge_weight):
    mesh = plsc.VectorSubcoreMesh(core_axis_name="c", subcore_axis_name="s")
    f = functools.partial(
        pl.kernel,
        mesh=mesh,
        compiler_params=pltpu.CompilerParams(needs_layout_passes=False),
        out_type=jax.ShapeDtypeStruct((D * N,), jnp.float32),
        scratch_types=[
            pltpu.VMEM((N,), jnp.int32),
            pltpu.VMEM((N,), jnp.int32),
            pltpu.VMEM((N,), jnp.float32),
            pltpu.VMEM((N,), jnp.float32),
            pltpu.VMEM((N,), jnp.float32),
            pltpu.VMEM((N,), jnp.float32),
            pltpu.VMEM((2 * CHUNK,), jnp.int32),
            pltpu.VMEM((2 * CHUNK,), jnp.float32),
            pltpu.SemaphoreType.DMA,
            pltpu.SemaphoreType.DMA,
        ],
    )(_sc_agg_body)
    return f(xT.reshape(-1), packed, edge_weight).reshape(D, N)


def _mm_body(a_ref, w_ref, b_ref, o_ref):
    o_ref[...] = lax.dot_general(
        a_ref[...], w_ref[...], (((0,), (0,)), ((), ())),
        preferred_element_type=jnp.float32,
    ) + b_ref[...]


def _matmul_tc(aggT, W, b2):
    return pl.pallas_call(
        _mm_body,
        out_shape=jax.ShapeDtypeStruct((N, C), jnp.float32),
    )(aggT, W, b2)


def kernel(x, edge_index, edge_weight, W, b):
    xT, packed = _transpose_pack_tc(x, edge_index)
    aggT = _sc_agg(xT, packed, edge_weight)
    return _matmul_tc(aggT, W, b[None, :])

# --- scband reference (transcript-rebuilt; emitter-appended) ---
"""Pipeline reference for scband-no-mask-gcnconv-6425271075055 (READ-ONLY COPY).

The authoritative reference and input builder live on the scoring server;
editing this copy changes nothing except your own understanding.
"""

import jax, jax.numpy as jnp
import numpy as np

N = 10000
E = 320000
D = 128
C = 128


def setup_inputs(seed: int = 0) -> dict:
    key = jax.random.key(seed)
    k1, k2, k3, k4 = jax.random.split(key, 4)
    x = jax.random.normal(k1, (N, D), dtype=jnp.float32)
    edge_index = jax.random.randint(k2, (2, E), 0, N, dtype=jnp.int32)
    edge_weight = jax.random.uniform(k3, (E,), dtype=jnp.float32)
    # Learned parameters of GCNConv(channels=128): kernel [D, C] (glorot-ish) and bias [C]
    W = jax.random.normal(k4, (D, C), dtype=jnp.float32) * (1.0 / np.sqrt(D))
    b = jnp.zeros((C,), dtype=jnp.float32)
    return {"x": x, "edge_index": edge_index, "edge_weight": edge_weight, "W": W, "b": b}


def reference(x, edge_index, edge_weight, W, b):
    # GCNConv forward (spektral-style): out = A_hat @ (x @ W) + b, activation=None.
    # A_hat represented in COO form: edge_index (src, dst) with normalized edge_weight.
    # The NoMaskGCNConv wrapper only strips Keras masks; math is identical to GCNConv.
    h = x @ W                       # [N, C] dense transform
    src = edge_index[0]
    dst = edge_index[1]
    msg = h[src] * edge_weight[:, None]          # gather + scale  [E, C]
    out = jax.ops.segment_sum(msg, dst, num_segments=N)  # scatter-add [N, C]
    out = out + b
    return out

if __name__ == "__main__":
    import jax
    _d = setup_inputs()
    print(jax.jit(kernel)(*tuple(_d.values())))

</pallas_src>

<mosaic_0001>
#map = affine_map<(d0, d1) -> (0)>
module attributes {stable_mosaic.version = 14 : i64} {
  func.func @_sc_agg_body(%arg0: i32, %arg1: i32, %arg2: memref<640000xi32, #tpu.memory_space<hbm>>, %arg3: memref<320000xi32, #tpu.memory_space<hbm>>, %arg4: memref<320000xf32, #tpu.memory_space<hbm>>, %arg5: memref<1280000xf32, #tpu.memory_space<hbm>>, %arg6: memref<10000xi32, #tpu.memory_space<vmem>>, %arg7: memref<10000xi32, #tpu.memory_space<vmem>>, %arg8: memref<10000xf32, #tpu.memory_space<vmem>>, %arg9: memref<10000xf32, #tpu.memory_space<vmem>>, %arg10: memref<10000xf32, #tpu.memory_space<vmem>>, %arg11: memref<10000xf32, #tpu.memory_space<vmem>>, %arg12: memref<25600xi32, #tpu.memory_space<vmem>>, %arg13: memref<25600xf32, #tpu.memory_space<vmem>>, %arg14: memref<!tpu.dma_semaphore, #tpu.memory_space<semaphore_mem>>, %arg15: memref<!tpu.dma_semaphore, #tpu.memory_space<semaphore_mem>>) attributes {dimension_semantics = [#tpu.dimension_semantics<core_parallel>, #tpu.dimension_semantics<subcore_parallel>], iteration_bounds = array<i64: 2, 16>, scalar_prefetch = 0 : i64, scratch_operands = 10 : i64, tpu.core_type = #tpu.core_type<sc_vector_subcore>, window_params = [{transform_indices = #map}, {transform_indices = #map}, {transform_indices = #map}, {transform_indices = #map}]} {
    %mul3A = arith.constant 2 : i32
    %mul3A_0 = arith.muli %arg1, %mul3A : i32
    %add3A = arith.addi %mul3A_0, %arg0 : i32
    %mul3A_1 = arith.constant 4 : i32
    %mul3A_2 = arith.muli %add3A, %mul3A_1 : i32
    %mul3A_3 = arith.constant 2 : i32
    %mul3A_4 = arith.muli %mul3A_3, %add3A : i32
    %add3A_5 = arith.constant 0 : i32
    %add3A_6 = arith.addi %mul3A_4, %add3A_5 : i32
    %mul3A_7 = arith.constant 10000 : i32
    %mul3A_8 = arith.muli %add3A_6, %mul3A_7 : i32
    %mul3A_9 = arith.constant 2 : i32
    %mul3A_10 = arith.muli %mul3A_9, %add3A : i32
    %add3A_11 = arith.constant 1 : i32
    %add3A_12 = arith.addi %mul3A_10, %add3A_11 : i32
    %mul3A_13 = arith.constant 10000 : i32
    %mul3A_14 = arith.muli %add3A_12, %mul3A_13 : i32
    %dma_start3A = tpu.memref_slice %arg2[%mul3A_8] : memref<640000xi32, #tpu.memory_space<hbm>> -> memref<10000xi32, #tpu.memory_space<hbm>>
    %dma_start3A_15 = tpu.memref_slice %arg2[%mul3A_8] : memref<640000xi32, #tpu.memory_space<hbm>> -> memref<10000xi32, #tpu.memory_space<hbm>>
    tpu.enqueue_dma source(%dma_start3A_15 : memref<10000xi32, #tpu.memory_space<hbm>>) target(%arg6 : memref<10000xi32, #tpu.memory_space<vmem>>) target_semaphore(%arg15 : memref<!tpu.dma_semaphore, #tpu.memory_space<semaphore_mem>>)
    %dma_start3A_16 = tpu.memref_slice %arg2[%mul3A_14] : memref<640000xi32, #tpu.memory_space<hbm>> -> memref<10000xi32, #tpu.memory_space<hbm>>
    %dma_start3A_17 = tpu.memref_slice %arg2[%mul3A_14] : memref<640000xi32, #tpu.memory_space<hbm>> -> memref<10000xi32, #tpu.memory_space<hbm>>
    tpu.enqueue_dma source(%dma_start3A_17 : memref<10000xi32, #tpu.memory_space<hbm>>) target(%arg7 : memref<10000xi32, #tpu.memory_space<vmem>>) target_semaphore(%arg15 : memref<!tpu.dma_semaphore, #tpu.memory_space<semaphore_mem>>)
    %broadcast_in_dim3A = arith.constant 0.000000e+00 : f32
    %broadcast_in_dim3A_18 = vector.broadcast %broadcast_in_dim3A : f32 to vector<16xf32>
    %scan3A = arith.constant 0 : i32
    %scan3A_19 = arith.constant 0 : i32
    %scan3A_20 = arith.constant 125 : i32
    %scan3A_21 = arith.addi %scan3A_19, %scan3A_20 : i32
    %scan3A_22 = arith.constant 1 : i32
    scf.for %scan3A_65 = %scan3A_19 to %scan3A_21 step %scan3A_22  : i32 {
      %mul3A_66 = arith.constant 5 : i32
      %mul3A_67 = arith.muli %scan3A_65, %mul3A_66 : i32
      %add3A_68 = arith.constant 0 : i32
      %add3A_69 = arith.addi %mul3A_67, %add3A_68 : i32
      %mul3A_70 = arith.constant 16 : i32
      %mul3A_71 = arith.muli %add3A_69, %mul3A_70 : i32
      %swap3A = arith.index_cast %mul3A_71 : i32 to index
      %swap3A_72 = tpu.vector_load %arg8[%swap3A] {strides = array<i32>} : memref<10000xf32, #tpu.memory_space<vmem>>, vector<16xf32>,
      tpu.vector_store %arg8[%swap3A], %broadcast_in_dim3A_18 {strides = array<i32>} : memref<10000xf32, #tpu.memory_space<vmem>>, vector<16xf32>,
      %swap3A_73 = arith.index_cast %mul3A_71 : i32 to index
      %swap3A_74 = tpu.vector_load %arg9[%swap3A_73] {strides = array<i32>} : memref<10000xf32, #tpu.memory_space<vmem>>, vector<16xf32>,
      tpu.vector_store %arg9[%swap3A_73], %broadcast_in_dim3A_18 {strides = array<i32>} : memref<10000xf32, #tpu.memory_space<vmem>>, vector<16xf32>,
      %swap3A_75 = arith.index_cast %mul3A_71 : i32 to index
      %swap3A_76 = tpu.vector_load %arg10[%swap3A_75] {strides = array<i32>} : memref<10000xf32, #tpu.memory_space<vmem>>, vector<16xf32>,
      tpu.vector_store %arg10[%swap3A_75], %broadcast_in_dim3A_18 {strides = array<i32>} : memref<10000xf32, #tpu.memory_space<vmem>>, vector<16xf32>,
      %swap3A_77 = arith.index_cast %mul3A_71 : i32 to index
      %swap3A_78 = tpu.vector_load %arg11[%swap3A_77] {strides = array<i32>} : memref<10000xf32, #tpu.memory_space<vmem>>, vector<16xf32>,
      tpu.vector_store %arg11[%swap3A_77], %broadcast_in_dim3A_18 {strides = array<i32>} : memref<10000xf32, #tpu.memory_space<vmem>>, vector<16xf32>,
      %mul3A_79 = arith.constant 5 : i32
      %mul3A_80 = arith.muli %scan3A_65, %mul3A_79 : i32
      %add3A_81 = arith.constant 1 : i32
      %add3A_82 = arith.addi %mul3A_80, %add3A_81 : i32
      %mul3A_83 = arith.constant 16 : i32
      %mul3A_84 = arith.muli %add3A_82, %mul3A_83 : i32
      %swap3A_85 = arith.index_cast %mul3A_84 : i32 to index
      %swap3A_86 = tpu.vector_load %arg8[%swap3A_85] {strides = array<i32>} : memref<10000xf32, #tpu.memory_space<vmem>>, vector<16xf32>,
      tpu.vector_store %arg8[%swap3A_85], %broadcast_in_dim3A_18 {strides = array<i32>} : memref<10000xf32, #tpu.memory_space<vmem>>, vector<16xf32>,
      %swap3A_87 = arith.index_cast %mul3A_84 : i32 to index
      %swap3A_88 = tpu.vector_load %arg9[%swap3A_87] {strides = array<i32>} : memref<10000xf32, #tpu.memory_space<vmem>>, vector<16xf32>,
      tpu.vector_store %arg9[%swap3A_87], %broadcast_in_dim3A_18 {strides = array<i32>} : memref<10000xf32, #tpu.memory_space<vmem>>, vector<16xf32>,
      %swap3A_89 = arith.index_cast %mul3A_84 : i32 to index
      %swap3A_90 = tpu.vector_load %arg10[%swap3A_89] {strides = array<i32>} : memref<10000xf32, #tpu.memory_space<vmem>>, vector<16xf32>,
      tpu.vector_store %arg10[%swap3A_89], %broadcast_in_dim3A_18 {strides = array<i32>} : memref<10000xf32, #tpu.memory_space<vmem>>, vector<16xf32>,
      %swap3A_91 = arith.index_cast %mul3A_84 : i32 to index
      %swap3A_92 = tpu.vector_load %arg11[%swap3A_91] {strides = array<i32>} : memref<10000xf32, #tpu.memory_space<vmem>>, vector<16xf32>,
      tpu.vector_store %arg11[%swap3A_91], %broadcast_in_dim3A_18 {strides = array<i32>} : memref<10000xf32, #tpu.memory_space<vmem>>, vector<16xf32>,
      %mul3A_93 = arith.constant 5 : i32
      %mul3A_94 = arith.muli %scan3A_65, %mul3A_93 : i32
      %add3A_95 = arith.constant 2 : i32
      %add3A_96 = arith.addi %mul3A_94, %add3A_95 : i32
      %mul3A_97 = arith.constant 16 : i32
      %mul3A_98 = arith.muli %add3A_96, %mul3A_97 : i32
      %swap3A_99 = arith.index_cast %mul3A_98 : i32 to index
      %swap3A_100 = tpu.vector_load %arg8[%swap3A_99] {strides = array<i32>} : memref<10000xf32, #tpu.memory_space<vmem>>, vector<16xf32>,
      tpu.vector_store %arg8[%swap3A_99], %broadcast_in_dim3A_18 {strides = array<i32>} : memref<10000xf32, #tpu.memory_space<vmem>>, vector<16xf32>,
      %swap3A_101 = arith.index_cast %mul3A_98 : i32 to index
      %swap3A_102 = tpu.vector_load %arg9[%swap3A_101] {strides = array<i32>} : memref<10000xf32, #tpu.memory_space<vmem>>, vector<16xf32>,
      tpu.vector_store %arg9[%swap3A_101], %broadcast_in_dim3A_18 {strides = array<i32>} : memref<10000xf32, #tpu.memory_space<vmem>>, vector<16xf32>,
      %swap3A_103 = arith.index_cast %mul3A_98 : i32 to index
      %swap3A_104 = tpu.vector_load %arg10[%swap3A_103] {strides = array<i32>} : memref<10000xf32, #tpu.memory_space<vmem>>, vector<16xf32>,
      tpu.vector_store %arg10[%swap3A_103], %broadcast_in_dim3A_18 {strides = array<i32>} : memref<10000xf32, #tpu.memory_space<vmem>>, vector<16xf32>,
      %swap3A_105 = arith.index_cast %mul3A_98 : i32 to index
      %swap3A_106 = tpu.vector_load %arg11[%swap3A_105] {strides = array<i32>} : memref<10000xf32, #tpu.memory_space<vmem>>, vector<16xf32>,
      tpu.vector_store %arg11[%swap3A_105], %broadcast_in_dim3A_18 {strides = array<i32>} : memref<10000xf32, #tpu.memory_space<vmem>>, vector<16xf32>,
      %mul3A_107 = arith.constant 5 : i32
      %mul3A_108 = arith.muli %scan3A_65, %mul3A_107 : i32
      %add3A_109 = arith.constant 3 : i32
      %add3A_110 = arith.addi %mul3A_108, %add3A_109 : i32
      %mul3A_111 = arith.constant 16 : i32
      %mul3A_112 = arith.muli %add3A_110, %mul3A_111 : i32
      %swap3A_113 = arith.index_cast %mul3A_112 : i32 to index
      %swap3A_114 = tpu.vector_load %arg8[%swap3A_113] {strides = array<i32>} : memref<10000xf32, #tpu.memory_space<vmem>>, vector<16xf32>,
      tpu.vector_store %arg8[%swap3A_113], %broadcast_in_dim3A_18 {strides = array<i32>} : memref<10000xf32, #tpu.memory_space<vmem>>, vector<16xf32>,
      %swap3A_115 = arith.index_cast %mul3A_112 : i32 to index
      %swap3A_116 = tpu.vector_load %arg9[%swap3A_115] {strides = array<i32>} : memref<10000xf32, #tpu.memory_space<vmem>>, vector<16xf32>,
      tpu.vector_store %arg9[%swap3A_115], %broadcast_in_dim3A_18 {strides = array<i32>} : memref<10000xf32, #tpu.memory_space<vmem>>, vector<16xf32>,
      %swap3A_117 = arith.index_cast %mul3A_112 : i32 to index
      %swap3A_118 = tpu.vector_load %arg10[%swap3A_117] {strides = array<i32>} : memref<10000xf32, #tpu.memory_space<vmem>>, vector<16xf32>,
      tpu.vector_store %arg10[%swap3A_117], %broadcast_in_dim3A_18 {strides = array<i32>} : memref<10000xf32, #tpu.memory_space<vmem>>, vector<16xf32>,
      %swap3A_119 = arith.index_cast %mul3A_112 : i32 to index
      %swap3A_120 = tpu.vector_load %arg11[%swap3A_119] {strides = array<i32>} : memref<10000xf32, #tpu.memory_space<vmem>>, vector<16xf32>,
      tpu.vector_store %arg11[%swap3A_119], %broadcast_in_dim3A_18 {strides = array<i32>} : memref<10000xf32, #tpu.memory_space<vmem>>, vector<16xf32>,
      %mul3A_121 = arith.constant 5 : i32
      %mul3A_122 = arith.muli %scan3A_65, %mul3A_121 : i32
      %add3A_123 = arith.constant 4 : i32
      %add3A_124 = arith.addi %mul3A_122, %add3A_123 : i32
      %mul3A_125 = arith.constant 16 : i32
      %mul3A_126 = arith.muli %add3A_124, %mul3A_125 : i32
      %swap3A_127 = arith.index_cast %mul3A_126 : i32 to index
      %swap3A_128 = tpu.vector_load %arg8[%swap3A_127] {strides = array<i32>} : memref<10000xf32, #tpu.memory_space<vmem>>, vector<16xf32>,
      tpu.vector_store %arg8[%swap3A_127], %broadcast_in_dim3A_18 {strides = array<i32>} : memref<10000xf32, #tpu.memory_space<vmem>>, vector<16xf32>,
      %swap3A_129 = arith.index_cast %mul3A_126 : i32 to index
      %swap3A_130 = tpu.vector_load %arg9[%swap3A_129] {strides = array<i32>} : memref<10000xf32, #tpu.memory_space<vmem>>, vector<16xf32>,
      tpu.vector_store %arg9[%swap3A_129], %broadcast_in_dim3A_18 {strides = array<i32>} : memref<10000xf32, #tpu.memory_space<vmem>>, vector<16xf32>,
      %swap3A_131 = arith.index_cast %mul3A_126 : i32 to index
      %swap3A_132 = tpu.vector_load %arg10[%swap3A_131] {strides = array<i32>} : memref<10000xf32, #tpu.memory_space<vmem>>, vector<16xf32>,
      tpu.vector_store %arg10[%swap3A_131], %broadcast_in_dim3A_18 {strides = array<i32>} : memref<10000xf32, #tpu.memory_space<vmem>>, vector<16xf32>,
      %swap3A_133 = arith.index_cast %mul3A_126 : i32 to index
      %swap3A_134 = tpu.vector_load %arg11[%swap3A_133] {strides = array<i32>} : memref<10000xf32, #tpu.memory_space<vmem>>, vector<16xf32>,
      tpu.vector_store %arg11[%swap3A_133], %broadcast_in_dim3A_18 {strides = array<i32>} : memref<10000xf32, #tpu.memory_space<vmem>>, vector<16xf32>,
    }
    %scan3A_23 = arith.constant 125 : i32
    %dma_wait3A = tpu.memref_slice %arg2[%mul3A_8] : memref<640000xi32, #tpu.memory_space<hbm>> -> memref<10000xi32, #tpu.memory_space<hbm>>
    %dma_wait3A_24 = tpu.memref_slice %arg2[%mul3A_8] : memref<640000xi32, #tpu.memory_space<hbm>> -> memref<10000xi32, #tpu.memory_space<hbm>>
    tpu.wait_dma2 semaphore(%arg15 : memref<!tpu.dma_semaphore, #tpu.memory_space<semaphore_mem>>) src(%dma_wait3A_24 : memref<10000xi32, #tpu.memory_space<hbm>>) dst(%arg6 : memref<10000xi32, #tpu.memory_space<vmem>>)
    %dma_wait3A_25 = tpu.memref_slice %arg2[%mul3A_14] : memref<640000xi32, #tpu.memory_space<hbm>> -> memref<10000xi32, #tpu.memory_space<hbm>>
    %dma_wait3A_26 = tpu.memref_slice %arg2[%mul3A_14] : memref<640000xi32, #tpu.memory_space<hbm>> -> memref<10000xi32, #tpu.memory_space<hbm>>
    tpu.wait_dma2 semaphore(%arg15 : memref<!tpu.dma_semaphore, #tpu.memory_space<semaphore_mem>>) src(%dma_wait3A_26 : memref<10000xi32, #tpu.memory_space<hbm>>) dst(%arg7 : memref<10000xi32, #tpu.memory_space<vmem>>)
    %dma_start3A_27 = arith.constant 0 : i32
    %dma_start3A_28 = tpu.memref_slice %arg12[%dma_start3A_27] : memref<25600xi32, #tpu.memory_space<vmem>> -> memref<12800xi32, #tpu.memory_space<vmem>>
    %dma_start3A_29 = arith.constant 0 : i32
    %dma_start3A_30 = tpu.memref_slice %arg3[%dma_start3A_29] : memref<320000xi32, #tpu.memory_space<hbm>> -> memref<12800xi32, #tpu.memory_space<hbm>>
    %dma_start3A_31 = arith.constant 0 : i32
    %dma_start3A_32 = tpu.memref_slice %arg12[%dma_start3A_31] : memref<25600xi32, #tpu.memory_space<vmem>> -> memref<12800xi32, #tpu.memory_space<vmem>>
    %dma_start3A_33 = arith.constant 0 : i32
    %dma_start3A_34 = tpu.memref_slice %arg3[%dma_start3A_33] : memref<320000xi32, #tpu.memory_space<hbm>> -> memref<12800xi32, #tpu.memory_space<hbm>>
    tpu.enqueue_dma source(%dma_start3A_34 : memref<12800xi32, #tpu.memory_space<hbm>>) target(%dma_start3A_32 : memref<12800xi32, #tpu.memory_space<vmem>>) target_semaphore(%arg14 : memref<!tpu.dma_semaphore, #tpu.memory_space<semaphore_mem>>)
    %dma_start3A_35 = arith.constant 0 : i32
    %dma_start3A_36 = tpu.memref_slice %arg13[%dma_start3A_35] : memref<25600xf32, #tpu.memory_space<vmem>> -> memref<12800xf32, #tpu.memory_space<vmem>>
    %dma_start3A_37 = arith.constant 0 : i32
    %dma_start3A_38 = tpu.memref_slice %arg4[%dma_start3A_37] : memref<320000xf32, #tpu.memory_space<hbm>> -> memref<12800xf32, #tpu.memory_space<hbm>>
    %dma_start3A_39 = arith.constant 0 : i32
    %dma_start3A_40 = tpu.memref_slice %arg13[%dma_start3A_39] : memref<25600xf32, #tpu.memory_space<vmem>> -> memref<12800xf32, #tpu.memory_space<vmem>>
    %dma_start3A_41 = arith.constant 0 : i32
    %dma_start3A_42 = tpu.memref_slice %arg4[%dma_start3A_41] : memref<320000xf32, #tpu.memory_space<hbm>> -> memref<12800xf32, #tpu.memory_space<hbm>>
    tpu.enqueue_dma source(%dma_start3A_42 : memref<12800xf32, #tpu.memory_space<hbm>>) target(%dma_start3A_40 : memref<12800xf32, #tpu.memory_space<vmem>>) target_semaphore(%arg14 : memref<!tpu.dma_semaphore, #tpu.memory_space<semaphore_mem>>)
    %scan3A_43 = arith.constant 0 : i32
    %scan3A_44 = arith.constant 0 : i32
    %scan3A_45 = arith.constant 25 : i32
    %scan3A_46 = arith.addi %scan3A_44, %scan3A_45 : i32
    %scan3A_47 = arith.constant 1 : i32
    scf.for %scan3A_65 = %scan3A_44 to %scan3A_46 step %scan3A_47  : i32 {
      %and3A = arith.constant 1 : i32
      %and3A_66 = arith.andi %scan3A_65, %and3A : i32
      %mul3A_67 = arith.constant 12800 : i32
      %mul3A_68 = arith.muli %and3A_66, %mul3A_67 : i32
      %mul3A_69 = arith.constant 12800 : i32
      %mul3A_70 = arith.muli %scan3A_65, %mul3A_69 : i32
      %mul3A_71 = arith.constant 12800 : i32
      %mul3A_72 = arith.muli %and3A_66, %mul3A_71 : i32
      %dma_wait3A_73 = tpu.memref_slice %arg12[%mul3A_72] : memref<25600xi32, #tpu.memory_space<vmem>> -> memref<12800xi32, #tpu.memory_space<vmem>>
      %dma_wait3A_74 = tpu.memref_slice %arg3[%mul3A_70] : memref<320000xi32, #tpu.memory_space<hbm>> -> memref<12800xi32, #tpu.memory_space<hbm>>
      %dma_wait3A_75 = tpu.memref_slice %arg12[%mul3A_72] : memref<25600xi32, #tpu.memory_space<vmem>> -> memref<12800xi32, #tpu.memory_space<vmem>>
      %dma_wait3A_76 = tpu.memref_slice %arg3[%mul3A_70] : memref<320000xi32, #tpu.memory_space<hbm>> -> memref<12800xi32, #tpu.memory_space<hbm>>
      tpu.wait_dma2 semaphore(%arg14 : memref<!tpu.dma_semaphore, #tpu.memory_space<semaphore_mem>>) src(%dma_wait3A_76 : memref<12800xi32, #tpu.memory_space<hbm>>) dst(%dma_wait3A_75 : memref<12800xi32, #tpu.memory_space<vmem>>)
      %dma_wait3A_77 = tpu.memref_slice %arg13[%mul3A_72] : memref<25600xf32, #tpu.memory_space<vmem>> -> memref<12800xf32, #tpu.memory_space<vmem>>
      %dma_wait3A_78 = tpu.memref_slice %arg4[%mul3A_70] : memref<320000xf32, #tpu.memory_space<hbm>> -> memref<12800xf32, #tpu.memory_space<hbm>>
      %dma_wait3A_79 = tpu.memref_slice %arg13[%mul3A_72] : memref<25600xf32, #tpu.memory_space<vmem>> -> memref<12800xf32, #tpu.memory_space<vmem>>
      %dma_wait3A_80 = tpu.memref_slice %arg4[%mul3A_70] : memref<320000xf32, #tpu.memory_space<hbm>> -> memref<12800xf32, #tpu.memory_space<hbm>>
      tpu.wait_dma2 semaphore(%arg14 : memref<!tpu.dma_semaphore, #tpu.memory_space<semaphore_mem>>) src(%dma_wait3A_80 : memref<12800xf32, #tpu.memory_space<hbm>>) dst(%dma_wait3A_79 : memref<12800xf32, #tpu.memory_space<vmem>>)
      %add3A_81 = arith.constant 1 : i32
      %add3A_82 = arith.addi %scan3A_65, %add3A_81 : i32
      %lt3A = arith.constant 25 : i32
      %lt3A_83 = arith.cmpi slt, %add3A_82, %lt3A : i32
      %convert_element_type3A = arith.extui %lt3A_83 : i1 to i32
      %cond3A = arith.constant 0 : i32
      %cond3A_84 = arith.cmpi ne, %convert_element_type3A, %cond3A : i32
      scf.if %cond3A_84 {
        %add3A_87 = arith.constant 1 : i32
        %add3A_88 = arith.addi %scan3A_65, %add3A_87 : i32
        %sub3A = arith.constant 1 : i32
        %sub3A_89 = arith.subi %sub3A, %and3A_66 : i32
        %mul3A_90 = arith.constant 12800 : i32
        %mul3A_91 = arith.muli %add3A_88, %mul3A_90 : i32
        %mul3A_92 = arith.constant 12800 : i32
        %mul3A_93 = arith.muli %sub3A_89, %mul3A_92 : i32
        %dma_start3A_94 = tpu.memref_slice %arg12[%mul3A_93] : memref<25600xi32, #tpu.memory_space<vmem>> -> memref<12800xi32, #tpu.memory_space<vmem>>
        %dma_start3A_95 = tpu.memref_slice %arg3[%mul3A_91] : memref<320000xi32, #tpu.memory_space<hbm>> -> memref<12800xi32, #tpu.memory_space<hbm>>
        %dma_start3A_96 = tpu.memref_slice %arg12[%mul3A_93] : memref<25600xi32, #tpu.memory_space<vmem>> -> memref<12800xi32, #tpu.memory_space<vmem>>
        %dma_start3A_97 = tpu.memref_slice %arg3[%mul3A_91] : memref<320000xi32, #tpu.memory_space<hbm>> -> memref<12800xi32, #tpu.memory_space<hbm>>
        tpu.enqueue_dma source(%dma_start3A_97 : memref<12800xi32, #tpu.memory_space<hbm>>) target(%dma_start3A_96 : memref<12800xi32, #tpu.memory_space<vmem>>) target_semaphore(%arg14 : memref<!tpu.dma_semaphore, #tpu.memory_space<semaphore_mem>>)
        %dma_start3A_98 = tpu.memref_slice %arg13[%mul3A_93] : memref<25600xf32, #tpu.memory_space<vmem>> -> memref<12800xf32, #tpu.memory_space<vmem>>
        %dma_start3A_99 = tpu.memref_slice %arg4[%mul3A_91] : memref<320000xf32, #tpu.memory_space<hbm>> -> memref<12800xf32, #tpu.memory_space<hbm>>
        %dma_start3A_100 = tpu.memref_slice %arg13[%mul3A_93] : memref<25600xf32, #tpu.memory_space<vmem>> -> memref<12800xf32, #tpu.memory_space<vmem>>
        %dma_start3A_101 = tpu.memref_slice %arg4[%mul3A_91] : memref<320000xf32, #tpu.memory_space<hbm>> -> memref<12800xf32, #tpu.memory_space<hbm>>
        tpu.enqueue_dma source(%dma_start3A_101 : memref<12800xf32, #tpu.memory_space<hbm>>) target(%dma_start3A_100 : memref<12800xf32, #tpu.memory_space<vmem>>) target_semaphore(%arg14 : memref<!tpu.dma_semaphore, #tpu.memory_space<semaphore_mem>>)
      } else {
      }
      %parallel_loop3A = arith.constant 0 : i32
      %parallel_loop3A_85 = arith.constant 800 : i32
      %parallel_loop3A_86 = arith.constant 1 : i32
      scf.for %parallel_loop3A_87 = %parallel_loop3A to %parallel_loop3A_85 step %parallel_loop3A_86  : i32 {
        %parallel_loop3A_88 = arith.constant 16 : i32
        %parallel_loop3A_89 = arith.muli %parallel_loop3A_87, %parallel_loop3A_88 : i32
        %parallel_loop3A_90 = arith.addi %mul3A_68, %parallel_loop3A_89 : i32
        %parallel_loop3A_91 = arith.index_cast %parallel_loop3A_90 : i32 to index
        %parallel_loop3A_92 = tpu.vector_load %arg12[%parallel_loop3A_91] {strides = array<i32>} : memref<25600xi32, #tpu.memory_space<vmem>>, vector<16xi32>,
        %parallel_loop3A_93 = arith.constant 65535 : i32
        %parallel_loop3A_94 = vector.broadcast %parallel_loop3A_93 : i32 to vector<16xi32>
        %parallel_loop3A_95 = arith.andi %parallel_loop3A_92, %parallel_loop3A_94 : vector<16xi32>
        %parallel_loop3A_96 = arith.constant 16 : i32
        %parallel_loop3A_97 = vector.broadcast %parallel_loop3A_96 : i32 to vector<16xi32>
        %parallel_loop3A_98 = arith.shrui %parallel_loop3A_92, %parallel_loop3A_97 : vector<16xi32>
        %parallel_loop3A_99 = arith.index_cast %parallel_loop3A_90 : i32 to index
        %parallel_loop3A_100 = tpu.vector_load %arg13[%parallel_loop3A_99] {strides = array<i32>} : memref<25600xf32, #tpu.memory_space<vmem>>, vector<16xf32>,
        %parallel_loop3A_101 = tpu.vector_load_idx %arg6[%parallel_loop3A_95] : memref<10000xi32, #tpu.memory_space<vmem>>[vector<16xi32>], vector<16xi32>,
        %parallel_loop3A_102 = vector.bitcast %parallel_loop3A_101 : vector<16xi32> to vector<32xbf16>
        %parallel_loop3A_103 = tpu.unpack_subelements %parallel_loop3A_102, 0 {pack_format = #tpu.pack_format<interleaved>} : vector<32xbf16> -> vector<16xf32>
        %parallel_loop3A_104 = tpu.unpack_subelements %parallel_loop3A_102, 1 {pack_format = #tpu.pack_format<interleaved>} : vector<32xbf16> -> vector<16xf32>
        %parallel_loop3A_105 = arith.mulf %parallel_loop3A_103, %parallel_loop3A_100 : vector<16xf32>
        tpu.vector_store_idx %arg8[%parallel_loop3A_98], %parallel_loop3A_105 {add = true} : memref<10000xf32, #tpu.memory_space<vmem>>[vector<16xi32>], vector<16xf32>,
        %parallel_loop3A_106 = arith.mulf %parallel_loop3A_104, %parallel_loop3A_100 : vector<16xf32>
        tpu.vector_store_idx %arg9[%parallel_loop3A_98], %parallel_loop3A_106 {add = true} : memref<10000xf32, #tpu.memory_space<vmem>>[vector<16xi32>], vector<16xf32>,
        %parallel_loop3A_107 = tpu.vector_load_idx %arg7[%parallel_loop3A_95] : memref<10000xi32, #tpu.memory_space<vmem>>[vector<16xi32>], vector<16xi32>,
        %parallel_loop3A_108 = vector.bitcast %parallel_loop3A_107 : vector<16xi32> to vector<32xbf16>
        %parallel_loop3A_109 = tpu.unpack_subelements %parallel_loop3A_108, 0 {pack_format = #tpu.pack_format<interleaved>} : vector<32xbf16> -> vector<16xf32>
        %parallel_loop3A_110 = tpu.unpack_subelements %parallel_loop3A_108, 1 {pack_format = #tpu.pack_format<interleaved>} : vector<32xbf16> -> vector<16xf32>
        %parallel_loop3A_111 = arith.mulf %parallel_loop3A_109, %parallel_loop3A_100 : vector<16xf32>
        tpu.vector_store_idx %arg10[%parallel_loop3A_98], %parallel_loop3A_111 {add = true} : memref<10000xf32, #tpu.memory_space<vmem>>[vector<16xi32>], vector<16xf32>,
        %parallel_loop3A_112 = arith.mulf %parallel_loop3A_110, %parallel_loop3A_100 : vector<16xf32>
        tpu.vector_store_idx %arg11[%parallel_loop3A_98], %parallel_loop3A_112 {add = true} : memref<10000xf32, #tpu.memory_space<vmem>>[vector<16xi32>], vector<16xf32>,
      } {sc.loop_unroll_factor = 10 : i64, sc.parallel_access}
    }
    %scan3A_48 = arith.constant 25 : i32
    %add3A_49 = arith.constant 0 : i32
    %add3A_50 = arith.addi %mul3A_2, %add3A_49 : i32
    %mul3A_51 = arith.constant 10000 : i32
    %mul3A_52 = arith.muli %add3A_50, %mul3A_51 : i32
    "tpu.region"() ({
      %run_scoped3A = tpu.sem_alloc : memref<!tpu.dma_semaphore, #tpu.memory_space<semaphore_mem>>
      %dma_start3A_65 = tpu.memref_slice %arg5[%mul3A_52] : memref<1280000xf32, #tpu.memory_space<hbm>> -> memref<10000xf32, #tpu.memory_space<hbm>>
      %dma_start3A_66 = tpu.memref_slice %arg5[%mul3A_52] : memref<1280000xf32, #tpu.memory_space<hbm>> -> memref<10000xf32, #tpu.memory_space<hbm>>
      tpu.enqueue_dma source(%arg8 : memref<10000xf32, #tpu.memory_space<vmem>>) target(%dma_start3A_66 : memref<10000xf32, #tpu.memory_space<hbm>>) target_semaphore(%run_scoped3A : memref<!tpu.dma_semaphore, #tpu.memory_space<semaphore_mem>>)
      %dma_wait3A_67 = tpu.memref_slice %arg5[%mul3A_52] : memref<1280000xf32, #tpu.memory_space<hbm>> -> memref<10000xf32, #tpu.memory_space<hbm>>
      %dma_wait3A_68 = tpu.memref_slice %arg5[%mul3A_52] : memref<1280000xf32, #tpu.memory_space<hbm>> -> memref<10000xf32, #tpu.memory_space<hbm>>
      tpu.wait_dma2 semaphore(%run_scoped3A : memref<!tpu.dma_semaphore, #tpu.memory_space<semaphore_mem>>) src(%arg8 : memref<10000xf32, #tpu.memory_space<vmem>>) dst(%dma_wait3A_68 : memref<10000xf32, #tpu.memory_space<hbm>>)
      tpu.yield
    }) : () -> ()
    %add3A_53 = arith.constant 1 : i32
    %add3A_54 = arith.addi %mul3A_2, %add3A_53 : i32
    %mul3A_55 = arith.constant 10000 : i32
    %mul3A_56 = arith.muli %add3A_54, %mul3A_55 : i32
    "tpu.region"() ({
      %run_scoped3A = tpu.sem_alloc : memref<!tpu.dma_semaphore, #tpu.memory_space<semaphore_mem>>
      %dma_start3A_65 = tpu.memref_slice %arg5[%mul3A_56] : memref<1280000xf32, #tpu.memory_space<hbm>> -> memref<10000xf32, #tpu.memory_space<hbm>>
      %dma_start3A_66 = tpu.memref_slice %arg5[%mul3A_56] : memref<1280000xf32, #tpu.memory_space<hbm>> -> memref<10000xf32, #tpu.memory_space<hbm>>
      tpu.enqueue_dma source(%arg9 : memref<10000xf32, #tpu.memory_space<vmem>>) target(%dma_start3A_66 : memref<10000xf32, #tpu.memory_space<hbm>>) target_semaphore(%run_scoped3A : memref<!tpu.dma_semaphore, #tpu.memory_space<semaphore_mem>>)
      %dma_wait3A_67 = tpu.memref_slice %arg5[%mul3A_56] : memref<1280000xf32, #tpu.memory_space<hbm>> -> memref<10000xf32, #tpu.memory_space<hbm>>
      %dma_wait3A_68 = tpu.memref_slice %arg5[%mul3A_56] : memref<1280000xf32, #tpu.memory_space<hbm>> -> memref<10000xf32, #tpu.memory_space<hbm>>
      tpu.wait_dma2 semaphore(%run_scoped3A : memref<!tpu.dma_semaphore, #tpu.memory_space<semaphore_mem>>) src(%arg9 : memref<10000xf32, #tpu.memory_space<vmem>>) dst(%dma_wait3A_68 : memref<10000xf32, #tpu.memory_space<hbm>>)
      tpu.yield
    }) : () -> ()
    %add3A_57 = arith.constant 2 : i32
    %add3A_58 = arith.addi %mul3A_2, %add3A_57 : i32
    %mul3A_59 = arith.constant 10000 : i32
    %mul3A_60 = arith.muli %add3A_58, %mul3A_59 : i32
    "tpu.region"() ({
      %run_scoped3A = tpu.sem_alloc : memref<!tpu.dma_semaphore, #tpu.memory_space<semaphore_mem>>
      %dma_start3A_65 = tpu.memref_slice %arg5[%mul3A_60] : memref<1280000xf32, #tpu.memory_space<hbm>> -> memref<10000xf32, #tpu.memory_space<hbm>>
      %dma_start3A_66 = tpu.memref_slice %arg5[%mul3A_60] : memref<1280000xf32, #tpu.memory_space<hbm>> -> memref<10000xf32, #tpu.memory_space<hbm>>
      tpu.enqueue_dma source(%arg10 : memref<10000xf32, #tpu.memory_space<vmem>>) target(%dma_start3A_66 : memref<10000xf32, #tpu.memory_space<hbm>>) target_semaphore(%run_scoped3A : memref<!tpu.dma_semaphore, #tpu.memory_space<semaphore_mem>>)
      %dma_wait3A_67 = tpu.memref_slice %arg5[%mul3A_60] : memref<1280000xf32, #tpu.memory_space<hbm>> -> memref<10000xf32, #tpu.memory_space<hbm>>
      %dma_wait3A_68 = tpu.memref_slice %arg5[%mul3A_60] : memref<1280000xf32, #tpu.memory_space<hbm>> -> memref<10000xf32, #tpu.memory_space<hbm>>
      tpu.wait_dma2 semaphore(%run_scoped3A : memref<!tpu.dma_semaphore, #tpu.memory_space<semaphore_mem>>) src(%arg10 : memref<10000xf32, #tpu.memory_space<vmem>>) dst(%dma_wait3A_68 : memref<10000xf32, #tpu.memory_space<hbm>>)
      tpu.yield
    }) : () -> ()
    %add3A_61 = arith.constant 3 : i32
    %add3A_62 = arith.addi %mul3A_2, %add3A_61 : i32
    %mul3A_63 = arith.constant 10000 : i32
    %mul3A_64 = arith.muli %add3A_62, %mul3A_63 : i32
    "tpu.region"() ({
      %run_scoped3A = tpu.sem_alloc : memref<!tpu.dma_semaphore, #tpu.memory_space<semaphore_mem>>
      %dma_start3A_65 = tpu.memref_slice %arg5[%mul3A_64] : memref<1280000xf32, #tpu.memory_space<hbm>> -> memref<10000xf32, #tpu.memory_space<hbm>>
      %dma_start3A_66 = tpu.memref_slice %arg5[%mul3A_64] : memref<1280000xf32, #tpu.memory_space<hbm>> -> memref<10000xf32, #tpu.memory_space<hbm>>
      tpu.enqueue_dma source(%arg11 : memref<10000xf32, #tpu.memory_space<vmem>>) target(%dma_start3A_66 : memref<10000xf32, #tpu.memory_space<hbm>>) target_semaphore(%run_scoped3A : memref<!tpu.dma_semaphore, #tpu.memory_space<semaphore_mem>>)
      %dma_wait3A_67 = tpu.memref_slice %arg5[%mul3A_64] : memref<1280000xf32, #tpu.memory_space<hbm>> -> memref<10000xf32, #tpu.memory_space<hbm>>
      %dma_wait3A_68 = tpu.memref_slice %arg5[%mul3A_64] : memref<1280000xf32, #tpu.memory_space<hbm>> -> memref<10000xf32, #tpu.memory_space<hbm>>
      tpu.wait_dma2 semaphore(%run_scoped3A : memref<!tpu.dma_semaphore, #tpu.memory_space<semaphore_mem>>) src(%arg11 : memref<10000xf32, #tpu.memory_space<vmem>>) dst(%dma_wait3A_68 : memref<10000xf32, #tpu.memory_space<hbm>>)
      tpu.yield
    }) : () -> ()
    return
  }
}

module attributes {stable_mosaic.version = 14 : i64} {
  func.func @_tr_body(%arg0: memref<10000x128xf32, #tpu.memory_space<vmem>>, %arg1: memref<2x320000xi32, #tpu.memory_space<vmem>>, %arg2: memref<64x10000xi32, #tpu.memory_space<vmem>>, %arg3: memref<320000xi32, #tpu.memory_space<vmem>>) attributes {dimension_semantics = [], scalar_prefetch = 0 : i64, scratch_operands = 0 : i64, tpu.core_type = #tpu.core_type<tc>} {
    %iota3A = tpu.iota {dimensions = array<i32: 0>} : vector<64x128xi32>
    %mul3A = arith.constant 2 : i32
    %mul3A_0 = vector.broadcast %mul3A : i32 to vector<64x128xi32>
    %mul3A_1 = arith.muli %mul3A_0, %iota3A : vector<64x128xi32>
    %iota3A_2 = tpu.iota {dimensions = array<i32: 1>} : vector<64x128xi32>
    %eq3A = arith.cmpi eq, %iota3A_2, %mul3A_1 : vector<64x128xi32>
    %convert_element_type3A = arith.extui %eq3A : vector<64x128xi1> to vector<64x128xi32>
    %convert_element_type3A_3 = arith.sitofp %convert_element_type3A : vector<64x128xi32> to vector<64x128xf32>
    %add3A = arith.constant 1 : i32
    %add3A_4 = vector.broadcast %add3A : i32 to vector<64x128xi32>
    %add3A_5 = arith.addi %mul3A_1, %add3A_4 : vector<64x128xi32>
    %eq3A_6 = arith.cmpi eq, %iota3A_2, %add3A_5 : vector<64x128xi32>
    %convert_element_type3A_7 = arith.extui %eq3A_6 : vector<64x128xi1> to vector<64x128xi32>
    %convert_element_type3A_8 = arith.sitofp %convert_element_type3A_7 : vector<64x128xi32> to vector<64x128xf32>
    %get3A = arith.constant 0 : index
    %get3A_9 = arith.constant 0 : index
    %get3A_10 = vector.load %arg0[%get3A, %get3A_9] : memref<10000x128xf32, #tpu.memory_space<vmem>>, vector<10000x128xf32>
    %dot_general3A = arith.constant dense<0.000000e+00> : vector<64x10000xf32>
    %dot_general3A_11 = tpu.matmul %convert_element_type3A_3, %get3A_10, %dot_general3A {dimension_numbers = #tpu.dot_dimension_numbers<[1], [1], [0], [0], [0, 0, 1, 0], [], []>, transpose_lhs_hint = false} : vector<64x128xf32>, vector<10000x128xf32>, vector<64x10000xf32> -> vector<64x10000xf32>
    %dot_general3A_12 = arith.constant dense<0.000000e+00> : vector<64x10000xf32>
    %dot_general3A_13 = tpu.matmul %convert_element_type3A_8, %get3A_10, %dot_general3A_12 {dimension_numbers = #tpu.dot_dimension_numbers<[1], [1], [0], [0], [0, 0, 1, 0], [], []>, transpose_lhs_hint = false} : vector<64x128xf32>, vector<10000x128xf32>, vector<64x10000xf32> -> vector<64x10000xf32>
    %bitcast_convert_type3A = tpu.bitcast %dot_general3A_11 : vector<64x10000xf32> -> vector<64x10000xi32>
    %shift_right_logical3A = arith.constant 16 : i32
    %shift_right_logical3A_14 = vector.broadcast %shift_right_logical3A : i32 to vector<64x10000xi32>
    %shift_right_logical3A_15 = arith.shrui %bitcast_convert_type3A, %shift_right_logical3A_14 : vector<64x10000xi32>
    %and3A = arith.constant 1 : i32
    %and3A_16 = vector.broadcast %and3A : i32 to vector<64x10000xi32>
    %and3A_17 = arith.andi %shift_right_logical3A_15, %and3A_16 : vector<64x10000xi32>
    %add3A_18 = arith.constant 32767 : i32
    %add3A_19 = vector.broadcast %add3A_18 : i32 to vector<64x10000xi32>
    %add3A_20 = arith.addi %and3A_17, %add3A_19 : vector<64x10000xi32>
    %add3A_21 = arith.addi %bitcast_convert_type3A, %add3A_20 : vector<64x10000xi32>
    %shift_right_logical3A_22 = arith.constant 16 : i32
    %shift_right_logical3A_23 = vector.broadcast %shift_right_logical3A_22 : i32 to vector<64x10000xi32>
    %shift_right_logical3A_24 = arith.shrui %add3A_21, %shift_right_logical3A_23 : vector<64x10000xi32>
    %bitcast_convert_type3A_25 = tpu.bitcast %dot_general3A_13 : vector<64x10000xf32> -> vector<64x10000xi32>
    %shift_right_logical3A_26 = arith.constant 16 : i32
    %shift_right_logical3A_27 = vector.broadcast %shift_right_logical3A_26 : i32 to vector<64x10000xi32>
    %shift_right_logical3A_28 = arith.shrui %bitcast_convert_type3A_25, %shift_right_logical3A_27 : vector<64x10000xi32>
    %and3A_29 = arith.constant 1 : i32
    %and3A_30 = vector.broadcast %and3A_29 : i32 to vector<64x10000xi32>
    %and3A_31 = arith.andi %shift_right_logical3A_28, %and3A_30 : vector<64x10000xi32>
    %add3A_32 = arith.constant 32767 : i32
    %add3A_33 = vector.broadcast %add3A_32 : i32 to vector<64x10000xi32>
    %add3A_34 = arith.addi %and3A_31, %add3A_33 : vector<64x10000xi32>
    %add3A_35 = arith.addi %bitcast_convert_type3A_25, %add3A_34 : vector<64x10000xi32>
    %shift_right_logical3A_36 = arith.constant 16 : i32
    %shift_right_logical3A_37 = vector.broadcast %shift_right_logical3A_36 : i32 to vector<64x10000xi32>
    %shift_right_logical3A_38 = arith.shrui %add3A_35, %shift_right_logical3A_37 : vector<64x10000xi32>
    %shift_left3A = arith.constant 16 : i32
    %shift_left3A_39 = vector.broadcast %shift_left3A : i32 to vector<64x10000xi32>
    %shift_left3A_40 = arith.shli %shift_right_logical3A_38, %shift_left3A_39 : vector<64x10000xi32>
    %or3A = arith.ori %shift_right_logical3A_24, %shift_left3A_40 : vector<64x10000xi32>
    %swap3A = arith.constant 0 : index
    %swap3A_41 = arith.constant 0 : index
    %swap3A_42 = vector.load %arg2[%swap3A, %swap3A_41] : memref<64x10000xi32, #tpu.memory_space<vmem>>, vector<64x10000xi32>
    tpu.vector_store %arg2[%swap3A, %swap3A_41], %or3A {strides = array<i32>} : memref<64x10000xi32, #tpu.memory_space<vmem>>, vector<64x10000xi32>,
    %get3A_43 = arith.constant 0 : index
    %get3A_44 = arith.constant 0 : index
    %get3A_45 = vector.load %arg1[%get3A_43, %get3A_44] : memref<2x320000xi32, #tpu.memory_space<vmem>>, vector<1x320000xi32>
    %get3A_46 = vector.shape_cast %get3A_45 : vector<1x320000xi32> to vector<320000xi32>
    %get3A_47 = arith.constant 1 : index
    %get3A_48 = arith.constant 0 : index
    %get3A_49 = vector.load %arg1[%get3A_47, %get3A_48] : memref<2x320000xi32, #tpu.memory_space<vmem>>, vector<1x320000xi32>
    %get3A_50 = vector.shape_cast %get3A_49 : vector<1x320000xi32> to vector<320000xi32>
    %shift_left3A_51 = arith.constant 16 : i32
    %shift_left3A_52 = vector.broadcast %shift_left3A_51 : i32 to vector<320000xi32>
    %shift_left3A_53 = arith.shli %get3A_50, %shift_left3A_52 : vector<320000xi32>
    %or3A_54 = arith.ori %get3A_46, %shift_left3A_53 : vector<320000xi32>
    %swap3A_55 = arith.constant 0 : index
    %swap3A_56 = vector.load %arg3[%swap3A_55] : memref<320000xi32, #tpu.memory_space<vmem>>, vector<320000xi32>
    tpu.vector_store %arg3[%swap3A_55], %or3A_54 {strides = array<i32>} : memref<320000xi32, #tpu.memory_space<vmem>>, vector<320000xi32>,
    return
  }
}

module attributes {stable_mosaic.version = 14 : i64} {
  func.func @_mm_body(%arg0: memref<128x10000xf32, #tpu.memory_space<vmem>>, %arg1: memref<128x128xf32, #tpu.memory_space<vmem>>, %arg2: memref<1x128xf32, #tpu.memory_space<vmem>>, %arg3: memref<10000x128xf32, #tpu.memory_space<vmem>>) attributes {dimension_semantics = [], scalar_prefetch = 0 : i64, scratch_operands = 0 : i64, tpu.core_type = #tpu.core_type<tc>} {
    %get3A = arith.constant 0 : index
    %get3A_0 = arith.constant 0 : index
    %get3A_1 = vector.load %arg0[%get3A, %get3A_0] : memref<128x10000xf32, #tpu.memory_space<vmem>>, vector<128x10000xf32>
    %get3A_2 = arith.constant 0 : index
    %get3A_3 = arith.constant 0 : index
    %get3A_4 = vector.load %arg1[%get3A_2, %get3A_3] : memref<128x128xf32, #tpu.memory_space<vmem>>, vector<128x128xf32>
    %dot_general3A = arith.constant dense<0.000000e+00> : vector<10000x128xf32>
    %dot_general3A_5 = tpu.matmul %get3A_1, %get3A_4, %dot_general3A {dimension_numbers = #tpu.dot_dimension_numbers<[0], [0], [1], [1], [0, 1, 1, 1], [], []>, transpose_lhs_hint = false} : vector<128x10000xf32>, vector<128x128xf32>, vector<10000x128xf32> -> vector<10000x128xf32>
    %get3A_6 = arith.constant 0 : index
    %get3A_7 = arith.constant 0 : index
    %get3A_8 = vector.load %arg2[%get3A_6, %get3A_7] : memref<1x128xf32, #tpu.memory_space<vmem>>, vector<1x128xf32>
    %add3A = vector.broadcast %get3A_8 : vector<1x128xf32> to vector<10000x128xf32>
    %add3A_9 = arith.addf %dot_general3A_5, %add3A : vector<10000x128xf32>
    %swap3A = arith.constant 0 : index
    %swap3A_10 = arith.constant 0 : index
    %swap3A_11 = vector.load %arg3[%swap3A, %swap3A_10] : memref<10000x128xf32, #tpu.memory_space<vmem>>, vector<10000x128xf32>
    tpu.vector_store %arg3[%swap3A, %swap3A_10], %add3A_9 {strides = array<i32>} : memref<10000x128xf32, #tpu.memory_space<vmem>>, vector<10000x128xf32>,
    return
  }
}

</mosaic_0001>

<sc_bundles>
// kernel: kernel.5.cloned.1.call-start
scs
__scs_entry_jumppad:
0x0: {  	(pc) =	sbr.rel $0x88, $3  }
0x1: {  	(tag) =	ssettag $0x0;
	lr =	simm.s32 $0x1  }
0x2: {  	[smem:$0x3F9C] =	sst lr;
	_ =	strace $0xD0000000  }
0x3: {  	_ = 	snop  }
0x4: {  	_ = 	snop  }
0x5: {  	_ = 	snop  }
0x6: {  	_ = 	snop  }
0x7: {  	_ = 	snop  }
__scs_overlays_trampoline_lowered:
0x8: {  	[smem:$0x3FAB] =	sst s0  }
0x9: {  	[smem:$0x3FAC] =	sst s1  }
0xa: {  	[smem:$0x3FAD] =	sst s2  }
0xb: {  	[smem:$0x3FAE] =	sst s3  }
0xc: {  	[smem:$0x3FAF] =	sst s4  }
0xd: {  	[smem:$0x3FB0] =	sst s5  }
0xe: {  	[smem:$0x3FB1] =	sst s6  }
0xf: {  	[smem:$0x3FB2] =	sst s7  }
0x10: {  	[smem:$0x3FB3] =	sst s8  }
0x11: {  	[smem:$0x3FB4] =	sst s9;
	s0 =	simm.s32 @!p0 $0x0  }
0x12: {  	s1 =	sld [smem:$0x3F9A];
	s0 =	simm.s32 @p0 $0x1  }
0x13: {  	[smem:$0x3FB5] =	sst s0;
	s0 =	simm.s32 @!p1 $0x0  }
0x14: {  	s2 =	sld [smem:$0x3F99];
	s0 =	simm.s32 @p1 $0x1  }
0x15: {  	[smem:$0x3FB6] =	sst s0;
	s0 =	simm.s32 @!p2 $0x0  }
0x16: {  	s3 =	sld [smem:$0x3FDB];
	s0 =	simm.s32 @p2 $0x1  }
0x17: {  	s4 =	simm.s32 $0x1BF5;
	[smem:$0x3FB8] =	sst s0  }
0x18: {  	s0 =	sld [smem:$0x3F9B];
	_ =	swait.ge [sflag:s4], $0x0  }
0x19: {  	s7 =	sld [smem:$0x3F9C]  }
0x1a: {  	s8 =	sadd.s32 $0xFFFFE003, lr  }
0x1b: {  	s9 =	sadd.s32 $0xFFFFFEF7, lr;
	s5 =	simm.s32 $0xFFFFFFFF;
	p2 =	slt.u32 s8, $0xFFFFF086  }
0x1c: {  	p1 =	slt.u32 s9, $0xF7A;
	s5 =	simm.s32 @!p2 $0x0  }
0x1d: {  	s5 =	simm.s32 @p1 $0x1;
	p0 =	seq.s32 s7, s2  }
0x1e: {  	s7 =	smul.u32 @!p0 $0xF7A, s2;
	p2 =	seq.s32 @!p0 s5, $0x0  }
0x1f: {  	s9 =	smul.u32 $0xF7A, s1;
	s8 =	simm.s32 @!p0 $0x1BF5;
	p2 =	por !p2, p0  }
0x20: {  	[sflag:s8] =	ssyncset.s32 @!p0 $0xFFFFF086;
	s6 =	sadd.s32 @!p0 s3, s7;
	s7 =	simm.s32 @!p0 $0x108  }
0x21: {  	s3 =	sadd.s32 s3, s9;
	s6 =	sadd.s32 @!p0 $0x88, s6;
	s7 =	simm.s32 @p2 $0x1082  }
0x22: {  	[simem:s7], [sflag:s8] =	dma.local @!p0 [hbm:s6], $0xF7A  }
0x23: {  	s9 =	sor.u32 $0xD0000000, s2;
	s6 =	simm.s32 $0x108;
	_ =	swait.ge @!p0 [sflag:s8], $0x0  }
0x24: {  	s3 =	sadd.s32 $0x88, s3;
	s6 =	simm.s32 @!p1 $0x1082;
	[sflag:s4] =	ssyncset.s32 $0xFFFFF086  }
0x25: {  	[simem:s6], [sflag:s4] =	dma.local [hbm:s3], $0xF7A  }
0x26: {  	[smem:$0x3F9C] =	sst s1;
	(tag) =	ssettag s2;
	_ =	strace s9  }
0x27: {  	s1 =	sld [smem:$0x3FAC]  }
0x28: {  	s2 =	sld [smem:$0x3FAD]  }
0x29: {  	s4 =	sld [smem:$0x3FAF]  }
0x2a: {  	p0 =	seq.s32 s5, $0x0;
	s5 =	sld [smem:$0x3FB0]  }
0x2b: {  	s6 =	sld [smem:$0x3FB1]  }
0x2c: {  	s7 =	sld [smem:$0x3FB2]  }
0x2d: {  	s3 =	simm.s32 $0x108;
	s8 =	sld [smem:$0x3FB3]  }
0x2e: {  	s3 =	simm.s32 @!p0 $0x1082;
	s9 =	sld [smem:$0x3FB4]  }
0x2f: {  	lr =	sadd.s32 s0, s3;
	s0 =	sld [smem:$0x3FAB]  }
0x30: {  	s3 =	sld [smem:$0x3FAE]  }
0x31: {  	[smem:$0x3FB7] =	sst s10  }
0x32: {  	s10 =	sld [smem:$0x3FB5];
	_ =	sdelay $0x3  }
0x33: {  	p0 =	seq.s32 s10, $0x1;
	s10 =	sld [smem:$0x3FB7];
	_ =	sdelay $0x3  }
0x34: {  	[smem:$0x3FB7] =	sst s10  }
0x35: {  	s10 =	sld [smem:$0x3FB6];
	_ =	sdelay $0x3  }
0x36: {  	p1 =	seq.s32 s10, $0x1;
	s10 =	sld [smem:$0x3FB7];
	_ =	sdelay $0x3  }
0x37: {  	[smem:$0x3FB7] =	sst s10  }
0x38: {  	s10 =	sld [smem:$0x3FB8]  }
0x39: {  	_ = 	snop;
	(pc) =	sbr.ind lr, $3  }
0x3a: {  	_ = 	snop  }
0x3b: {  	_ = 	snop  }
0x3c: {  	p2 =	seq.s32 s10, $0x1;
	s10 =	sld [smem:$0x3FB7]  }
0x3d: {  	_ =	shalt  }
0x3e: {  	_ =	shalt  }
0x3f: {  	_ =	shalt  }
0x40: {  	_ =	shalt  }
0x41: {  	_ =	shalt  }
0x42: {  	_ =	shalt  }
0x43: {  	_ =	shalt  }
0x44: {  	_ =	shalt  }
0x45: {  	_ =	shalt  }
0x46: {  	_ =	shalt  }
0x47: {  	_ =	shalt  }
0x48: {  	_ =	shalt  }
0x49: {  	_ =	shalt  }
0x4a: {  	_ =	shalt  }
0x4b: {  	_ =	shalt  }
0x4c: {  	_ =	shalt  }
0x4d: {  	_ =	shalt  }
0x4e: {  	_ =	shalt  }
0x4f: {  	_ =	shalt  }
0x50: {  	_ =	shalt  }
0x51: {  	_ =	shalt  }
0x52: {  	_ =	shalt  }
0x53: {  	_ =	shalt  }
0x54: {  	_ =	shalt  }
0x55: {  	_ =	shalt  }
0x56: {  	_ =	shalt  }
0x57: {  	_ =	shalt  }
0x58: {  	_ =	shalt  }
0x59: {  	_ =	shalt  }
0x5a: {  	_ =	shalt  }
0x5b: {  	_ =	shalt  }
0x5c: {  	_ =	shalt  }
0x5d: {  	_ =	shalt  }
0x5e: {  	_ =	shalt  }
0x5f: {  	_ =	shalt  }
0x60: {  	_ =	shalt  }
0x61: {  	_ =	shalt  }
0x62: {  	_ =	shalt  }
0x63: {  	_ =	shalt  }
0x64: {  	_ =	shalt  }
0x65: {  	_ =	shalt  }
0x66: {  	_ =	shalt  }
0x67: {  	_ =	shalt  }
0x68: {  	_ =	shalt  }
0x69: {  	_ =	shalt  }
0x6a: {  	_ =	shalt  }
0x6b: {  	_ =	shalt  }
0x6c: {  	_ =	shalt  }
0x6d: {  	_ =	shalt  }
0x6e: {  	_ =	shalt  }
0x6f: {  	_ =	shalt  }
0x70: {  	_ =	shalt  }
0x71: {  	_ =	shalt  }
0x72: {  	_ =	shalt  }
0x73: {  	_ =	shalt  }
0x74: {  	_ =	shalt  }
0x75: {  	_ =	shalt  }
0x76: {  	_ =	shalt  }
0x77: {  	_ =	shalt  }
0x78: {  	_ =	shalt  }
0x79: {  	_ =	shalt  }
0x7a: {  	_ =	shalt  }
0x7b: {  	_ =	shalt  }
0x7c: {  	_ =	shalt  }
0x7d: {  	_ =	shalt  }
0x7e: {  	_ =	shalt  }
0x7f: {  	_ =	shalt  }
0x80: {  	_ =	shalt  }
0x81: {  	_ =	shalt  }
0x82: {  	_ =	shalt  }
0x83: {  	_ =	shalt  }
0x84: {  	_ =	shalt  }
0x85: {  	_ =	shalt  }
0x86: {  	_ =	shalt  }
0x87: {  	_ =	shalt  }
.Lfunc_end0:
.L_simem_size_0:
called_computation_lowered:
.L_overlay_start_0:
0x88: {  	s2 =	sld [smem:$0x3FD9]  }
0x89: {  	s3 =	sld [smem:$0x3FFE];
	_ =	sdelay $0x1  }
0x8a: {  	s1 =	srdreg.scid  }
0x8b: {  	s0 =	sand.u32 $0x1, s1  }
0x8c: {  	s17 =	sshll.u32 s0, $0xA;
	s2 =	sadd.s32 s3, s2  }
0x8d: {  	s2 =	sadd.s32 s2, s17  }
0x8e: {  	[smem:$0x3FC3] =	sst s2  }
0x8f: {  	_ = 	snop  }
0x90: {  	s2 =	sld [smem:$0x3FC7]  }
0x91: {  	s18 =	sld [smem:$0x3FD0];
	(tm) =	ssettm $0x1  }
0x92: {  	s4 =	sld [smem:$0x3FFB];
	_ =	sdelay $0x3  }
0x93: {  	_ =	strace s4  }
0x94: {  	s4 =	sld [smem:$0x3FFC];
	_ =	sdelay $0x3  }
0x95: {  	_ =	strace s4  }
0x96: {  	s4 =	sld [smem:$0x3FFD];
	_ =	sdelay $0x3  }
0x97: {  	_ =	strace s4  }
0x98: {  	_ =	strace $0x8FFFFFFF  }
0x99: {  	s19 =	sld [smem:$0x3FDB];
	_ =	sdelay $0x1  }
0x9a: {  	s5 =	simm.s32 $_scs_section_size  }
0x9b: {  	s6 =	simm.s32 $_size__tile_overlayer_lowered;
	s7 =	simm.s32 $_tile_overlayer_lowered  }
0x9c: {  	s22 =	simm.s32 $0x1BFF;
	s21 =	sshll.u32 s7, $0x1;
	s4 =	sadd.s32 s5, s19  }
0x9d: {  	s8 =	simm.s32 $0x0;
	s20 =	sshll.u32 s6, $0x1;
	s6 =	sadd.s32 s21, s4  }
0x9e: {  	[timem:s8], [sflag:s22] =	dma.local [hbm:s6], s20  }
0x9f: {  	_ =	swait.ge [sflag:s22], s20  }
0xa0: {  	s5 =	ssub.s32 $0x0, s20;
	[sflag:s22] =	ssyncset.done $0x0  }
0xa1: {  	[sflag:s22] =	ssyncadd.s32 s5;
	_ =	sdelay $0x1  }
0xa2: {  	s23 =	simm.s32 $0x1B8B  }
0xa3: {  	_ =	swait.ge [sflag:s23], $0x1  }
0xa4: {  	[sflag:s23] =	ssyncset.done $0x0  }
0xa5: {  	s25 =	simm.s32 $0x1B8E;
	s24 =	sld [smem:$0x3FFE];
	[sflag:s23] =	ssyncadd.s32 $0xFFFFFFFF  }
0xa6: {  	s26 =	simm.s32 $execute0_lowered;
	[smem:$0x3FD2] =	sst s25  }
0xa7: {  	s6 =	sshll.u32 s26, $0x1;
	_ =	strace $0x80000046;
	[dreg:$0x1] =	wrdreg $0xFFFFFFFF  }
0xa8: {  	s28 =	simm.s32 $_size_execute0_lowered;
	s4 =	sadd.s32 s4, s6;
	[dreg:$0x0] =	wrdreg $0x0  }
0xa9: {  	s6 =	sshll.u32 s28, $0x1;
	[dreg:$0x2] =	wrdreg s4  }
0xaa: {  	[dreg:$0x3] =	wrdreg s6  }
0xab: {  	[dreg:$0x4] =	wrdreg $0xC0  }
0xac: {  	_ =	task [dreg:s8], $0x5FFFF  }
0xad: {  	[dreg:$0x1] =	wrdreg $0xFFFFFFFF  }
0xae: {  	[dreg:$0x0] =	wrdreg $0x60  }
0xaf: {  	[dreg:$0x2] =	wrdreg s24  }
0xb0: {  	[dreg:$0x3] =	wrdreg s2  }
0xb1: {  	[dreg:$0x4] =	wrdreg s18  }
0xb2: {  	[dreg:$0x5] =	wrdreg $0x9  }
0xb3: {  	_ =	task.clear_ibuf [dreg:s8], $0x6FFFF;
	_ =	strace $0x90000046  }
0xb4: {  	s29 =	simm.s32 $0x9;
	_ =	strace $0x80000048  }
0xb5: {  	_ =	swait.ge [sflag:s29], $0x1  }
0xb6: {  	[sflag:s29] =	ssyncadd.s32 $0xFFFFFFFF  }
0xb7: {  	_ =	strace $0x90000048  }
0xb8: {  	_ =	sfence  }
0xb9: {  	s30 =	sld [smem:$0x0];
	_ =	sdelay $0x2  }
0xba: {  	s31 =	sshll.u32 s1, $0xD;
	s1 =	sshrl.u32 s1, $0x2  }
0xbb: {  	s3 =	sand.u32 $0x4000, s31;
	s1 =	sadd.s32 s1, s30  }
0xbc: {  	s0 =	sor.u32 s3, s0;
	s1 =	sshll.u32 s1, $0x11  }
0xbd: {  	s0 =	sor.u32 s1, s0  }
0xbe: {  	s0 =	sadd.s32 $0x8F2B, s0  }
0xbf: {  	[sflag:s0] =	ssyncadd.remote.s32 $0x1  }
0xc0: {  	_ =	sfence.sel $0xFFFF  }
0xc1: {  	[dreg:$0x0] =	wrdreg $0xFFFFFFFF;
	(pc) =	sbr.abs _section_cstart, $3  }
0xc2: {  	[dreg:$0x1] =	wrdreg $0xFFFFFFFF  }
0xc3: {  	_ =	task.clear_ibuf [dreg:s8], $0x2FFFF;
	_ =	strace $0x9FFFFFFF  }
0xc4: {  	(tm) =	ssettm $0x7FFFFFFF  }
0xc5: {  	_ =	shalt  }
tec
execute0_lowered:
.L_overlay_start_1:
0x0: {  	(tag) =	ssettag $0x1  }
0x1: {  	s0 =	rddreg [dreg:$0x0]  }
0x2: {  	s2 =	rddreg [dreg:$0x1]  }
0x3: {  	s4 =	srdreg.scid;
	s5 =	stileid.u32  }
0x4: {  	s1 =	rddreg [dreg:$0x2];
	s4 =	sand.u32 $0x1, s4;
	s5 =	sshll.u32 s5, $0x1  }
0x5: {  	s3 =	simm.s32 $0x0;
	s12 =	simm.s32 $0x2780;
	s5 =	sor.u32 s4, s5  }
0x6: {  	s16 =	simm.s32 $0x1;
	s17 =	simm.s32 $0x4F00;
	s6 =	smul.u32 $0x4E20, s5  }
0x7: {  	[smem:$0x7FF] =	sst s3;
	s7 =	sadd.s32 $0xAE00, s0;
	s9 =	smul.u32 $0x9C4, s5  }
0x8: {  	_ =	strace $0x80000047;
	s8 =	ssub.s32 $0x2, s4;
	s10 =	smul.u32 $0x9C40, s5  }
0x9: {  	s4 =	sadd.s32 $0x1000, s0;
	s23 =	sshrl.u32 s8, $0x1;
	s24 =	smul.u32 $0x1388, s5  }
0xa: {  	s0 =	ssub.s32 s8, s23;
	s6 =	sshrl.u32 s6, $0x3;
	s25 =	sadd.s32 s7, s9  }
0xb: {  	s26 =	sshrl.u32 s10, $0x3;
	s29 =	sadd.s32 s1, s24;
	[dreg:$0x5] =	wrdreg s25  }
0xc: {  	s0 =	smax.u32 s0, $0x1;
	s6 =	sadd.s32 s7, s6;
	[dreg:$0x7] =	wrdreg s29  }
0xd: {  	s1 =	sadd.s32 s1, s26;
	[dreg:$0xb] =	wrdreg s0;
	s28 =	sadd.s32 $0x4E2, s6  }
0xe: {  	s18 =	simm.s32 $0x7680;
	s30 =	sadd.s32 $0x4E2, s1;
	[dreg:$0x6] =	wrdreg s28  }
0xf: {  	s19 =	simm.s32 $0x9E00;
	s31 =	sadd.s32 $0x9C4, s1;
	[dreg:$0x8] =	wrdreg s30  }
0x10: {  	s20 =	simm.s32 $0xC580;
	s1 =	sadd.s32 $0xEA6, s1;
	[dreg:$0x9] =	wrdreg s31  }
0x11: {  	v0 =	vimm.f32 $0.0e+00;
	s22 =	simm.s32 $0x0;
	s23 =	simm.s32 $0x0;
	[dreg:$0xa] =	wrdreg s1  }
.LBB2_1:
0x12: {  	s0 =	rddreg [dreg:$0x5]  }
0x13: {  	[tilespmem:s3], [sflag:$0x2] =	stream.linear.gather [hbm4b:s0+s3], $0x2710, $0x38;
	[tilespmem:$0x1B500] =	vst v63  }
0x14: {  	s31 =	rddreg [dreg:$0x6];
	s1 =	simm.s32 $0x140;
	s0 =	simm.s32 $0x0  }
0x15: {  	[tilespmem:s12], [sflag:$0x2] =	stream.linear.gather [hbm4b:s31+s3], $0x2710, $0x38;
	[tilespmem:$0x1B500] =	vst v63  }
.LBB2_2:
0x16: {  	p0 =	sne.s32 s1, $0x9B00;
	[tilespmem:s0+$0xC5C0] =	vst v0  }
0x17: {  	[tilespmem:s0+$0x4F00] =	vst v0  }
0x18: {  	[tilespmem:s0+$0x7680] =	vst v0  }
0x19: {  	[tilespmem:s0+$0x9E00] =	vst v0  }
0x1a: {  	[tilespmem:s0+$0xC580] =	vst v0  }
0x1b: {  	[tilespmem:s0+$0x4F10] =	vst v0  }
0x1c: {  	[tilespmem:s0+$0x7690] =	vst v0  }
0x1d: {  	[tilespmem:s0+$0x9E10] =	vst v0  }
0x1e: {  	[tilespmem:s0+$0xC590] =	vst v0  }
0x1f: {  	[tilespmem:s0+$0x4F20] =	vst v0  }
0x20: {  	[tilespmem:s0+$0x76A0] =	vst v0  }
0x21: {  	[tilespmem:s0+$0x9E20] =	vst v0  }
0x22: {  	[tilespmem:s0+$0xC5A0] =	vst v0  }
0x23: {  	[tilespmem:s0+$0x4F30] =	vst v0  }
0x24: {  	[tilespmem:s0+$0x76B0] =	vst v0  }
.Ltmp0:
0x25: {  	[tilespmem:s0+$0x9E30] =	vst v0;
	(pc) =	sbr.rel @p0 .LBB2_2-.Ltmp0, $4  }
0x26: {  	[tilespmem:s0+$0xC5B0] =	vst v0  }
0x27: {  	[tilespmem:s0+$0x4F40] =	vst v0  }
0x28: {  	[tilespmem:s0+$0x76C0] =	vst v0  }
0x29: {  	[tilespmem:s0+$0x9E40] =	vst v0;
	s0 =	sshra.s32 s1, $0x2;
	s1 =	sadd.s32 $0x140, s1  }
0x2a: {  	[tilespmem:s0+$0xC5C0] =	vst v0  }
0x2b: {  	[tilespmem:s0+$0x4F00] =	vst v0  }
0x2c: {  	[tilespmem:s0+$0x7680] =	vst v0  }
0x2d: {  	[tilespmem:s0+$0x9E00] =	vst v0  }
0x2e: {  	[tilespmem:s0+$0xC580] =	vst v0  }
0x2f: {  	[tilespmem:s0+$0x4F10] =	vst v0  }
0x30: {  	[tilespmem:s0+$0x7690] =	vst v0  }
0x31: {  	[tilespmem:s0+$0x9E10] =	vst v0  }
0x32: {  	[tilespmem:s0+$0xC590] =	vst v0  }
0x33: {  	[tilespmem:s0+$0x4F20] =	vst v0  }
0x34: {  	[tilespmem:s0+$0x76A0] =	vst v0  }
0x35: {  	[tilespmem:s0+$0x9E20] =	vst v0  }
0x36: {  	[tilespmem:s0+$0xC5A0] =	vst v0  }
0x37: {  	[tilespmem:s0+$0x4F30] =	vst v0  }
0x38: {  	[tilespmem:s0+$0x76B0] =	vst v0  }
0x39: {  	[tilespmem:s0+$0x9E30] =	vst v0  }
0x3a: {  	[tilespmem:s0+$0xC5B0] =	vst v0  }
0x3b: {  	[tilespmem:s0+$0x4F40] =	vst v0  }
0x3c: {  	[tilespmem:s0+$0x76C0] =	vst v0  }
0x3d: {  	[tilespmem:s0+$0x9E40] =	vst v0;
	s29 =	simm.s32 $0x2  }
0x3e: {  	_ =	swait.ge [sflag:s29], $0x2710  }
0x3f: {  	[sflag:s29] =	ssyncset.done $0x0  }
0x40: {  	[sflag:s29] =	ssyncadd.s32 $0xFFFFD8F0  }
0x41: {  	_ =	swait.ge [sflag:s29], $0x2710  }
0x42: {  	[sflag:s29] =	ssyncset.done $0x0  }
0x43: {  	s30 =	simm.s32 $0xED00;
	[sflag:s29] =	ssyncadd.s32 $0xFFFFD8F0  }
0x44: {  	[tilespmem:s30], [sflag:$0x1] =	stream.linear.gather [hbm4b:s4+s23], $0x3200, $0x38;
	[tilespmem:$0x1B500] =	vst v63  }
0x45: {  	s31 =	simm.s32 $0x15100;
	p0 =	por $0x0, $0x0;
	s24 =	simm.s32 $0x0  }
0x46: {  	[tilespmem:s31], [sflag:$0x1] =	stream.linear.gather [hbm4b:s2+s23], $0x3200, $0x38;
	[tilespmem:$0x1B500] =	vst v63  }
.LBB2_5:
0x47: {  	s0 =	simm.s32 $0x1  }
0x48: {  	s0 =	simm.s32 @!p0 $0x0  }
0x49: {  	s0 =	smul.u32 $0x3200, s0;
	_ =	sdelay $0x1  }
0x4a: {  	[dreg:$0x4] =	wrdreg s0  }
0x4b: {  	p1 =	seq.s32 s24, $0x18;
	_ =	swait.ge [sflag:s16], $0x3200  }
0x4c: {  	s0 =	sand.u32 $0x1, s24;
	s24 =	sadd.s32 $0x1, s24;
	[sflag:s16] =	ssyncset.done $0x0  }
0x4d: {  	s0 =	sxor.u32 @!p1 $0x1, s0;
	s1 =	smul.u32 @!p1 $0x640, s24;
	[sflag:s16] =	ssyncadd.s32 $0xFFFFCE00  }
0x4e: {  	s0 =	smul.u32 @!p1 $0x3200, s0;
	_ =	swait.ge [sflag:s16], $0x3200  }
0x4f: {  	s25 =	simm.s32 @!p1 $0x0;
	[sflag:s16] =	ssyncset.done $0x0  }
0x50: {  	s15 =	sadd.s32 @!p1 s4, s1;
	s14 =	sadd.s32 @!p1 $0xED00, s0;
	[sflag:s16] =	ssyncadd.s32 $0xFFFFCE00  }
0x51: {  	[tilespmem:s14], [sflag:$0x1] =	stream.linear.gather @!p1 [hbm4b:s15+s25], $0x3200, $0x38;
	[tilespmem:$0x1B500] =	vst v63  }
0x52: {  	s1 =	sadd.s32 @!p1 s2, s1;
	s0 =	sadd.s32 @!p1 $0x15100, s0;
	s30 =	rddreg [dreg:$0x4]  }
0x53: {  	[tilespmem:s0], [sflag:$0x1] =	stream.linear.gather @!p1 [hbm4b:s1+s25], $0x3200, $0x38;
	[tilespmem:$0x1B500] =	vst v63  }
0x54: {  	s0 =	sadd.s32 $0x0, s30  }
0x55: {  	s31 =	simm.s32 $0x90;
	s14 =	sadd.s32 $0x90, s0  }
0x56: {  	s1 =	sand.u32 $0x70, s31;
	s14 =	sand.u32 $0xFF80, s14  }
0x57: {  	s28 =	sadd.s32 $0x80, s0;
	s1 =	sor.u32 s1, s14  }
0x58: {  	s30 =	sand.u32 $0x60, s23;
	s29 =	sand.u32 $0xFF80, s28;
	v1 =	vld [tilespmem:s1+$0xED00]  }
0x59: {  	s5 =	simm.s32 $0x20;
	s6 =	sadd.s32 $0x20, s0;
	s31 =	sor.u32 s30, s29;
	v2 =	vld [tilespmem:s1+$0x15100]  }
0x5a: {  	s15 =	sand.u32 $0x60, s5;
	s14 =	sand.u32 $0xFF80, s6;
	v19 =	vld [tilespmem:s31+$0xED00]  }
0x5b: {  	s8 =	simm.s32 $0x30;
	s7 =	sadd.s32 $0x30, s0;
	s14 =	sor.u32 s15, s14;
	v13 =	vld [tilespmem:s31+$0x15100]  }
0x5c: {  	s15 =	sand.u32 $0xFF80, s7;
	s1 =	sand.u32 $0x70, s8;
	v3 =	vld [tilespmem:s14+$0xED00]  }
0x5d: {  	s10 =	simm.s32 $0x40;
	s9 =	sadd.s32 $0x40, s0;
	s1 =	sor.u32 s1, s15;
	v16 =	vld [tilespmem:s14+$0x15100]  }
0x5e: {  	s15 =	sand.u32 $0xFF80, s9;
	s14 =	sand.u32 $0x60, s10;
	v4 =	vld [tilespmem:s1+$0xED00]  }
0x5f: {  	s13 =	simm.s32 $0x50;
	s11 =	sadd.s32 $0x50, s0;
	s14 =	sor.u32 s14, s15;
	v15 =	vld [tilespmem:s1+$0x15100]  }
0x60: {  	s15 =	sand.u32 $0xFF80, s11;
	s1 =	sand.u32 $0x70, s13;
	v6 =	vld [tilespmem:s14+$0xED00]  }
0x61: {  	s1 =	sor.u32 s1, s15;
	v14 =	vld [tilespmem:s14+$0x15100]  }
0x62: {  	s25 =	sadd.s32 $0x70, s0;
	s15 =	sadd.s32 $0x60, s0;
	s0 =	sand.u32 $0x7F80, s0;
	v7 =	vld [tilespmem:s1+$0xED00]  }
0x63: {  	s21 =	simm.s32 $0x60;
	v8 =	vld [tilespmem:s1+$0x15100];
	s0 =	sor.u32 s30, s0;
	v5 =	vand.u32 $0xFFFF, v1  }
0x64: {  	s14 =	sand.u32 $0xFF80, s15;
	s15 =	sand.u32 $0x60, s21;
	v21 =	vld [tilespmem:s0+$0xED00]  }
0x65: {  	s14 =	sor.u32 s15, s14;
	v23 =	vld [tilespmem:s0+$0xED10]  }
0x66: {  	s26 =	simm.s32 $0x70;
	v28 =	vand.u32 $0xFFFF, v19;
	v17 =	vld [tilespmem:s14+$0xED00]  }
0x67: {  	s1 =	sand.u32 $0xFF80, s25;
	s15 =	sand.u32 $0x70, s26;
	v10 =	vld [tilespmem:s14+$0x15100];
	v22 =	vand.u32 $0xFFFF, v4  }
0x68: {  	s1 =	sor.u32 s15, s1;
	v24 =	vand.u32 $0xFFFF, v6;
	v11 =	vld.idx.msk [tilespmem:v5+s3+$0x0], $0xffff  }
0x69: {  	v18 =	vld [tilespmem:s1+$0xED00];
	v25 =	vand.u32 $0xFFFF, v7  }
0x6a: {  	v9 =	vld [tilespmem:s1+$0x15100];
	v30 =	vand.u32 $0xFFFF, v21  }
0x6b: {  	v1 =	vshrl.u32 v1, $0x10;
	v36 =	vld.idx.msk [tilespmem:v28+s3+$0x0], $0xffff  }
0x6c: {  	v29 =	vld.idx.msk [tilespmem:v22+s3+$0x0], $0xffff  }
0x6d: {  	v31 =	vld.idx.msk [tilespmem:v24+s3+$0x0], $0xffff;
	v12 =	vunpack.i.l.bf16.f32 v11  }
0x6e: {  	v34 =	vand.u32 $0xFFFF, v23;
	v32 =	vld.idx.msk [tilespmem:v25+s3+$0x0], $0xffff;
	v11 =	vunpack.i.u.bf16.f32 v11;
	v12 =	vmul.f32 v12, v2  }
0x6f: {  	v27 =	vand.u32 $0xFFFF, v18;
	v37 =	vld.idx.msk [tilespmem:v30+s3+$0x0], $0xffff;
	v11 =	vmul.f32 v11, v2  }
0x70: {  	v20 =	vand.u32 $0xFFFF, v3;
	[tilespmem:v1+s17+$0x0] =	vst.idx.add.f32.msk $0xffff, v12  }
0x71: {  	v40 =	vshrl.u32 v4, $0x10;
	[tilespmem:v1+s18+$0x0] =	vst.idx.add.f32.msk $0xffff, v11  }
0x72: {  	v5 =	vld.idx.msk [tilespmem:v5+s12+$0x0], $0xffff  }
0x73: {  	v38 =	vshrl.u32 v3, $0x10;
	v26 =	vand.u32 $0xFFFF, v17;
	v39 =	vld.idx.msk [tilespmem:v34+s3+$0x0], $0xffff;
	v3 =	vunpack.i.l.bf16.f32 v29  }
0x74: {  	v7 =	vshrl.u32 v7, $0x10;
	v35 =	vld.idx.msk [tilespmem:v27+s3+$0x0], $0xffff;
	v4 =	vunpack.i.u.bf16.f32 v29;
	v3 =	vmul.f32 v3, v15  }
0x75: {  	v4 =	vmul.f32 v4, v15;
	v11 =	vld.idx.msk [tilespmem:v20+s3+$0x0], $0xffff  }
0x76: {  	[tilespmem:v40+s17+$0x0] =	vst.idx.add.f32.msk $0xffff, v3;
	v3 =	vunpack.i.l.bf16.f32 v32  }
0x77: {  	[tilespmem:v40+s18+$0x0] =	vst.idx.add.f32.msk $0xffff, v4;
	v3 =	vmul.f32 v3, v8;
	v4 =	vshrl.u32 v18, $0x10;
	v12 =	vunpack.i.l.bf16.f32 v5  }
0x78: {  	v33 =	vld.idx.msk [tilespmem:v26+s3+$0x0], $0xffff;
	v5 =	vunpack.i.u.bf16.f32 v5;
	v12 =	vmul.f32 v12, v2  }
0x79: {  	v18 =	vunpack.i.l.bf16.f32 v35;
	[tilespmem:v7+s17+$0x0] =	vst.idx.add.f32.msk $0xffff, v3;
	v2 =	vmul.f32 v5, v2  }
0x7a: {  	v18 =	vmul.f32 v18, v9;
	[tilespmem:v1+s19+$0x0] =	vst.idx.add.f32.msk $0xffff, v12  }
0x7b: {  	[tilespmem:v1+s20+$0x0] =	vst.idx.add.f32.msk $0xffff, v2;
	v1 =	vunpack.i.l.bf16.f32 v11  }
0x7c: {  	v6 =	vshrl.u32 v6, $0x10;
	[tilespmem:v4+s17+$0x0] =	vst.idx.add.f32.msk $0xffff, v18;
	v2 =	vunpack.i.u.bf16.f32 v11;
	v1 =	vmul.f32 v1, v16  }
0x7d: {  	v12 =	vld [tilespmem:s0+$0x15100];
	v2 =	vmul.f32 v2, v16  }
0x7e: {  	[tilespmem:v38+s17+$0x0] =	vst.idx.add.f32.msk $0xffff, v1;
	v1 =	vunpack.i.l.bf16.f32 v31  }
0x7f: {  	v5 =	vshrl.u32 v17, $0x10;
	[tilespmem:v38+s18+$0x0] =	vst.idx.add.f32.msk $0xffff, v2;
	v2 =	vunpack.i.u.bf16.f32 v31;
	v1 =	vmul.f32 v1, v14  }
0x80: {  	v17 =	vunpack.i.u.bf16.f32 v32;
	v11 =	vld [tilespmem:s0+$0x15110];
	v2 =	vmul.f32 v2, v14  }
0x81: {  	v17 =	vmul.f32 v17, v8;
	[tilespmem:v6+s17+$0x0] =	vst.idx.add.f32.msk $0xffff, v1;
	v1 =	vunpack.i.l.bf16.f32 v33  }
0x82: {  	v3 =	vshrl.u32 v19, $0x10;
	[tilespmem:v6+s18+$0x0] =	vst.idx.add.f32.msk $0xffff, v2;
	v2 =	vunpack.i.u.bf16.f32 v33;
	v1 =	vmul.f32 v1, v10  }
0x83: {  	[tilespmem:v7+s18+$0x0] =	vst.idx.add.f32.msk $0xffff, v17;
	v17 =	vunpack.i.u.bf16.f32 v35;
	v19 =	vmul.f32 v2, v10  }
0x84: {  	v17 =	vmul.f32 v17, v9;
	v2 =	vshrl.u32 v21, $0x10;
	[tilespmem:v5+s17+$0x0] =	vst.idx.add.f32.msk $0xffff, v1;
	v1 =	vunpack.i.l.bf16.f32 v36  }
0x85: {  	[tilespmem:v5+s18+$0x0] =	vst.idx.add.f32.msk $0xffff, v19;
	v19 =	vunpack.i.u.bf16.f32 v36;
	v21 =	vmul.f32 v1, v13  }
0x86: {  	v18 =	vunpack.i.l.bf16.f32 v37;
	[tilespmem:v4+s18+$0x0] =	vst.idx.add.f32.msk $0xffff, v17;
	v19 =	vmul.f32 v19, v13  }
0x87: {  	v17 =	vunpack.i.u.bf16.f32 v37;
	v18 =	vmul.f32 v18, v12;
	[tilespmem:v3+s17+$0x0] =	vst.idx.add.f32.msk $0xffff, v21  }
0x88: {  	v17 =	vmul.f32 v17, v12;
	[tilespmem:v3+s18+$0x0] =	vst.idx.add.f32.msk $0xffff, v19  }
0x89: {  	[tilespmem:v2+s17+$0x0] =	vst.idx.add.f32.msk $0xffff, v18  }
0x8a: {  	[tilespmem:v2+s18+$0x0] =	vst.idx.add.f32.msk $0xffff, v17  }
0x8b: {  	v1 =	vshrl.u32 v23, $0x10;
	v19 =	vunpack.i.u.bf16.f32 v39;
	v17 =	vld.idx.msk [tilespmem:v20+s12+$0x0], $0xffff  }
0x8c: {  	v18 =	vmul.f32 v19, v11;
	v19 =	vld.idx.msk [tilespmem:v22+s12+$0x0], $0xffff  }
0x8d: {  	v21 =	vunpack.i.l.bf16.f32 v39;
	v20 =	vld.idx.msk [tilespmem:v24+s12+$0x0], $0xffff  }
0x8e: {  	v21 =	vmul.f32 v21, v11;
	v22 =	vld.idx.msk [tilespmem:v26+s12+$0x0], $0xffff  }
0x8f: {  	v26 =	vld.idx.msk [tilespmem:v28+s12+$0x0], $0xffff  }
0x90: {  	[tilespmem:v1+s17+$0x0] =	vst.idx.add.f32.msk $0xffff, v21  }
0x91: {  	v21 =	vld.idx.msk [tilespmem:v25+s12+$0x0], $0xffff  }
0x92: {  	v25 =	vld.idx.msk [tilespmem:v27+s12+$0x0], $0xffff  }
0x93: {  	[tilespmem:v1+s18+$0x0] =	vst.idx.add.f32.msk $0xffff, v18;
	v23 =	vunpack.i.u.bf16.f32 v17;
	v17 =	vunpack.i.l.bf16.f32 v17  }
0x94: {  	v18 =	vld.idx.msk [tilespmem:v30+s12+$0x0], $0xffff;
	v27 =	vunpack.i.u.bf16.f32 v19;
	v19 =	vunpack.i.l.bf16.f32 v19;
	v24 =	vmul.f32 v17, v16  }
0x95: {  	v63 =	vunpack.i.u.bf16.f32 v20;
	v20 =	vunpack.i.l.bf16.f32 v20;
	v17 =	vld.idx.msk [tilespmem:v34+s12+$0x0], $0xffff;
	v62 =	vmul.f32 v23, v16  }
0x96: {  	v16 =	vunpack.i.u.bf16.f32 v21;
	v23 =	vunpack.i.l.bf16.f32 v21;
	[tilespmem:v38+s19+$0x0] =	vst.idx.add.f32.msk $0xffff, v24;
	v24 =	vmul.f32 v19, v15  }
0x97: {  	v27 =	vmul.f32 v27, v15;
	v21 =	vunpack.i.l.bf16.f32 v25;
	v19 =	vunpack.i.u.bf16.f32 v22;
	[tilespmem:v38+s20+$0x0] =	vst.idx.add.f32.msk $0xffff, v62  }
0x98: {  	v22 =	vunpack.i.l.bf16.f32 v22;
	v15 =	vunpack.i.u.bf16.f32 v25;
	[tilespmem:v40+s19+$0x0] =	vst.idx.add.f32.msk $0xffff, v24;
	v24 =	vmul.f32 v20, v14  }
0x99: {  	s25 =	simm.s32 $0x0;
	s26 =	simm.s32 $0x0;
	v25 =	vmul.f32 v63, v14;
	v14 =	vunpack.i.u.bf16.f32 v26;
	v20 =	vunpack.i.l.bf16.f32 v26;
	[tilespmem:v40+s20+$0x0] =	vst.idx.add.f32.msk $0xffff, v27  }
.LBB2_6:
0x9a: {  	v23 =	vmul.f32 v23, v8;
	[tilespmem:v6+s19+$0x0] =	vst.idx.add.f32.msk $0xffff, v24  }
0x9b: {  	s0 =	rddreg [dreg:$0x4];
	s26 =	sadd.s32 $0xA0, s26;
	[tilespmem:v6+s20+$0x0] =	vst.idx.add.f32.msk $0xffff, v25;
	v6 =	vmul.f32 v16, v8  }
0x9c: {  	s0 =	sadd.s32 s26, s0;
	[tilespmem:v7+s19+$0x0] =	vst.idx.add.f32.msk $0xffff, v23;
	v8 =	vmul.f32 v22, v10  }
0x9d: {  	s1 =	sadd.s32 $0x20, s26;
	s7 =	sadd.s32 $0x30, s26;
	v10 =	vmul.f32 v19, v10;
	s14 =	sadd.s32 $0x20, s0;
	[tilespmem:v7+s20+$0x0] =	vst.idx.add.f32.msk $0xffff, v6  }
0x9e: {  	s29 =	sadd.s32 $0x30, s0;
	s1 =	sand.u32 $0x60, s1;
	s14 =	sand.u32 $0xFF80, s14;
	[tilespmem:v5+s19+$0x0] =	vst.idx.add.f32.msk $0xffff, v8  }
0x9f: {  	s7 =	sand.u32 $0x70, s7;
	s29 =	sand.u32 $0xFF80, s29;
	s14 =	sor.u32 s1, s14;
	[tilespmem:v5+s20+$0x0] =	vst.idx.add.f32.msk $0xffff, v10  }
0xa0: {  	s15 =	sadd.s32 $0x90, s26;
	s28 =	sadd.s32 $0x90, s0;
	v6 =	vmul.f32 v21, v9;
	s1 =	sor.u32 s7, s29;
	v36 =	vld [tilespmem:s14+$0x15100]  }
0xa1: {  	v26 =	vunpack.i.u.bf16.f32 v18;
	s15 =	sand.u32 $0x70, s15;
	s28 =	sand.u32 $0xFF80, s28;
	v38 =	vld [tilespmem:s1+$0x15100]  }
0xa2: {  	v18 =	vunpack.i.l.bf16.f32 v18;
	v7 =	vmul.f32 v15, v9;
	v8 =	vmul.f32 v20, v13;
	s5 =	sor.u32 s15, s28;
	[tilespmem:v4+s19+$0x0] =	vst.idx.add.f32.msk $0xffff, v6  }
0xa3: {  	v9 =	vmul.f32 v14, v13;
	v13 =	vmul.f32 v18, v12;
	v6 =	vld [tilespmem:s5+$0xED00]  }
0xa4: {  	[tilespmem:v3+s19+$0x0] =	vst.idx.add.f32.msk $0xffff, v8  }
0xa5: {  	[tilespmem:v2+s19+$0x0] =	vst.idx.add.f32.msk $0xffff, v13  }
0xa6: {  	s8 =	sadd.s32 $0x40, s26;
	v24 =	vunpack.i.u.bf16.f32 v17;
	v17 =	vunpack.i.l.bf16.f32 v17;
	v12 =	vmul.f32 v26, v12;
	[tilespmem:v4+s20+$0x0] =	vst.idx.add.f32.msk $0xffff, v7  }
0xa7: {  	s9 =	sadd.s32 $0x50, s26;
	s10 =	sadd.s32 $0x60, s26;
	s11 =	sadd.s32 $0x70, s26;
	v5 =	vmul.f32 v17, v11;
	[tilespmem:v3+s20+$0x0] =	vst.idx.add.f32.msk $0xffff, v9  }
0xa8: {  	s30 =	sadd.s32 $0x40, s0;
	s31 =	sadd.s32 $0x50, s0;
	s13 =	sadd.s32 $0x60, s0;
	[tilespmem:v2+s20+$0x0] =	vst.idx.add.f32.msk $0xffff, v12  }
0xa9: {  	s21 =	sadd.s32 $0x70, s0;
	s8 =	sand.u32 $0x60, s8;
	s30 =	sand.u32 $0xFF80, s30;
	[tilespmem:v1+s19+$0x0] =	vst.idx.add.f32.msk $0xffff, v5  }
0xaa: {  	s6 =	sadd.s32 $0x80, s0;
	s9 =	sand.u32 $0x70, s9;
	s7 =	sor.u32 s8, s30;
	v10 =	vmul.f32 v24, v11;
	v2 =	vld [tilespmem:s1+$0xED00]  }
0xab: {  	s10 =	sand.u32 $0x60, s10;
	s11 =	sand.u32 $0x70, s11;
	s31 =	sand.u32 $0xFF80, s31;
	v4 =	vld [tilespmem:s7+$0xED00]  }
0xac: {  	s13 =	sand.u32 $0xFF80, s13;
	s6 =	sand.u32 $0xFF80, s6;
	s28 =	sand.u32 $0xFF80, s21;
	[tilespmem:v1+s20+$0x0] =	vst.idx.add.f32.msk $0xffff, v10  }
0xad: {  	s21 =	sand.u32 $0x7F80, s0;
	s15 =	sand.u32 $0x60, s26;
	s11 =	sor.u32 s11, s28;
	v1 =	vld [tilespmem:s14+$0xED00]  }
0xae: {  	s31 =	sor.u32 s9, s31;
	s9 =	sor.u32 s10, s13;
	s13 =	sor.u32 s15, s6;
	v11 =	vld [tilespmem:s11+$0xED00]  }
0xaf: {  	s21 =	sor.u32 s15, s21;
	v12 =	vld [tilespmem:s13+$0xED00]  }
0xb0: {  	v13 =	vld [tilespmem:s21+$0xED00];
	v8 =	vand.u32 $0xFFFF, v6  }
0xb1: {  	v41 =	vld [tilespmem:s7+$0x15100]  }
0xb2: {  	v14 =	vshrl.u32 v2, $0x10;
	v17 =	vand.u32 $0xFFFF, v2;
	v2 =	vld [tilespmem:s9+$0xED00];
	v18 =	vand.u32 $0xFFFF, v4  }
0xb3: {  	v9 =	vld [tilespmem:s5+$0x15100];
	v21 =	vand.u32 $0xFFFF, v11  }
0xb4: {  	v15 =	vshrl.u32 v1, $0x10;
	v16 =	vand.u32 $0xFFFF, v1;
	v1 =	vld [tilespmem:s31+$0xED00];
	v22 =	vand.u32 $0xFFFF, v12  }
0xb5: {  	v24 =	vand.u32 $0xFFFF, v13;
	v3 =	vld.idx.msk [tilespmem:v8+s3+$0x0], $0xffff  }
0xb6: {  	v23 =	vld [tilespmem:s21+$0xED10]  }
0xb7: {  	v5 =	vshrl.u32 v2, $0x10;
	v20 =	vand.u32 $0xFFFF, v2;
	v2 =	vshrl.u32 v13, $0x10;
	v13 =	vld.idx.msk [tilespmem:v18+s3+$0x0], $0xffff  }
0xb8: {  	v27 =	vld.idx.msk [tilespmem:v21+s3+$0x0], $0xffff  }
0xb9: {  	v10 =	vshrl.u32 v6, $0x10;
	v19 =	vand.u32 $0xFFFF, v1;
	v30 =	vld.idx.msk [tilespmem:v22+s3+$0x0], $0xffff  }
0xba: {  	v6 =	vshrl.u32 v4, $0x10;
	v31 =	vld.idx.msk [tilespmem:v24+s3+$0x0], $0xffff;
	v4 =	vunpack.i.l.bf16.f32 v3;
	v3 =	vunpack.i.u.bf16.f32 v3  }
0xbb: {  	v7 =	vshrl.u32 v1, $0x10;
	v1 =	vmul.f32 v3, v9;
	v3 =	vshrl.u32 v12, $0x10;
	v12 =	vld.idx.msk [tilespmem:v17+s3+$0x0], $0xffff  }
0xbc: {  	v26 =	vld.idx.msk [tilespmem:v20+s3+$0x0], $0xffff  }
0xbd: {  	v4 =	vmul.f32 v4, v9;
	v33 =	vunpack.i.u.bf16.f32 v13;
	v34 =	vunpack.i.l.bf16.f32 v13;
	v13 =	vld [tilespmem:s13+$0x15100]  }
0xbe: {  	v25 =	vld.idx.msk [tilespmem:v19+s3+$0x0], $0xffff  }
0xbf: {  	[tilespmem:v10+s17+$0x0] =	vst.idx.add.f32.msk $0xffff, v4  }
0xc0: {  	v34 =	vmul.f32 v34, v41;
	v4 =	vshrl.u32 v11, $0x10;
	v11 =	vld.idx.msk [tilespmem:v16+s3+$0x0], $0xffff  }
0xc1: {  	[tilespmem:v10+s18+$0x0] =	vst.idx.add.f32.msk $0xffff, v1  }
0xc2: {  	v33 =	vmul.f32 v33, v41;
	[tilespmem:v6+s17+$0x0] =	vst.idx.add.f32.msk $0xffff, v34  }
0xc3: {  	v39 =	vunpack.i.u.bf16.f32 v30;
	v30 =	vunpack.i.l.bf16.f32 v30;
	v8 =	vld.idx.msk [tilespmem:v8+s12+$0x0], $0xffff  }
0xc4: {  	[tilespmem:v6+s18+$0x0] =	vst.idx.add.f32.msk $0xffff, v33;
	v32 =	vunpack.i.u.bf16.f32 v12;
	v12 =	vunpack.i.l.bf16.f32 v12;
	v30 =	vmul.f32 v30, v13  }
0xc5: {  	v1 =	vshrl.u32 v23, $0x10;
	v45 =	vmul.f32 v12, v38;
	v12 =	vld [tilespmem:s21+$0x15100]  }
0xc6: {  	v23 =	vand.u32 $0xFFFF, v23;
	v29 =	vunpack.i.u.bf16.f32 v11;
	v11 =	vunpack.i.l.bf16.f32 v11;
	[tilespmem:v3+s17+$0x0] =	vst.idx.add.f32.msk $0xffff, v30  }
0xc7: {  	v59 =	vmul.f32 v39, v13;
	v44 =	vmul.f32 v11, v36;
	v11 =	vld [tilespmem:s21+$0x15110]  }
0xc8: {  	v32 =	vmul.f32 v32, v38;
	[tilespmem:v14+s17+$0x0] =	vst.idx.add.f32.msk $0xffff, v45  }
0xc9: {  	[tilespmem:v3+s18+$0x0] =	vst.idx.add.f32.msk $0xffff, v59  }
0xca: {  	v28 =	vunpack.i.l.bf16.f32 v8;
	v8 =	vunpack.i.u.bf16.f32 v8;
	[tilespmem:v14+s18+$0x0] =	vst.idx.add.f32.msk $0xffff, v32  }
0xcb: {  	v28 =	vmul.f32 v28, v9;
	v8 =	vmul.f32 v8, v9;
	v9 =	vld.idx.msk [tilespmem:v23+s3+$0x0], $0xffff  }
0xcc: {  	v29 =	vmul.f32 v29, v36;
	[tilespmem:v15+s17+$0x0] =	vst.idx.add.f32.msk $0xffff, v44  }
0xcd: {  	v17 =	vld.idx.msk [tilespmem:v17+s12+$0x0], $0xffff  }
0xce: {  	[tilespmem:v15+s18+$0x0] =	vst.idx.add.f32.msk $0xffff, v29  }
0xcf: {  	[tilespmem:v10+s19+$0x0] =	vst.idx.add.f32.msk $0xffff, v28  }
0xd0: {  	v16 =	vld.idx.msk [tilespmem:v16+s12+$0x0], $0xffff  }
0xd1: {  	v40 =	vunpack.i.u.bf16.f32 v31;
	v31 =	vunpack.i.l.bf16.f32 v31;
	[tilespmem:v10+s20+$0x0] =	vst.idx.add.f32.msk $0xffff, v8  }
0xd2: {  	v31 =	vmul.f32 v31, v12;
	v8 =	vld [tilespmem:s31+$0x15100]  }
0xd3: {  	v60 =	vmul.f32 v40, v12;
	v10 =	vld [tilespmem:s9+$0x15100]  }
0xd4: {  	[tilespmem:v2+s17+$0x0] =	vst.idx.add.f32.msk $0xffff, v31;
	v43 =	vunpack.i.l.bf16.f32 v9  }
0xd5: {  	[tilespmem:v2+s18+$0x0] =	vst.idx.add.f32.msk $0xffff, v60;
	v42 =	vunpack.i.u.bf16.f32 v9;
	v61 =	vmul.f32 v43, v11  }
0xd6: {  	v56 =	vunpack.i.u.bf16.f32 v25;
	v25 =	vunpack.i.l.bf16.f32 v25;
	v9 =	vld [tilespmem:s11+$0x15100];
	v62 =	vmul.f32 v42, v11  }
0xd7: {  	v35 =	vunpack.i.u.bf16.f32 v26;
	v26 =	vunpack.i.l.bf16.f32 v26;
	v25 =	vmul.f32 v25, v8;
	[tilespmem:v1+s17+$0x0] =	vst.idx.add.f32.msk $0xffff, v61  }
0xd8: {  	v26 =	vmul.f32 v26, v10;
	[tilespmem:v1+s18+$0x0] =	vst.idx.add.f32.msk $0xffff, v62  }
0xd9: {  	[tilespmem:v7+s17+$0x0] =	vst.idx.add.f32.msk $0xffff, v25  }
0xda: {  	[tilespmem:v5+s17+$0x0] =	vst.idx.add.f32.msk $0xffff, v26  }
0xdb: {  	v28 =	vmul.f32 v56, v8;
	v25 =	vld.idx.msk [tilespmem:v18+s12+$0x0], $0xffff  }
0xdc: {  	v37 =	vunpack.i.u.bf16.f32 v27;
	v27 =	vunpack.i.l.bf16.f32 v27;
	v57 =	vmul.f32 v35, v10;
	v18 =	vld.idx.msk [tilespmem:v24+s12+$0x0], $0xffff  }
0xdd: {  	v27 =	vmul.f32 v27, v9;
	[tilespmem:v7+s18+$0x0] =	vst.idx.add.f32.msk $0xffff, v28  }
0xde: {  	[tilespmem:v5+s18+$0x0] =	vst.idx.add.f32.msk $0xffff, v57  }
0xdf: {  	[tilespmem:v4+s17+$0x0] =	vst.idx.add.f32.msk $0xffff, v27  }
0xe0: {  	v19 =	vld.idx.msk [tilespmem:v19+s12+$0x0], $0xffff  }
0xe1: {  	v58 =	vmul.f32 v37, v9;
	v26 =	vunpack.i.u.bf16.f32 v16;
	v16 =	vunpack.i.l.bf16.f32 v16;
	v20 =	vld.idx.msk [tilespmem:v20+s12+$0x0], $0xffff  }
0xe2: {  	v16 =	vmul.f32 v16, v36;
	v27 =	vld.idx.msk [tilespmem:v22+s12+$0x0], $0xffff  }
0xe3: {  	v24 =	vunpack.i.l.bf16.f32 v17;
	[tilespmem:v4+s18+$0x0] =	vst.idx.add.f32.msk $0xffff, v58  }
0xe4: {  	s25 =	sadd.s32 $0xA, s25;
	v24 =	vmul.f32 v24, v38;
	[tilespmem:v15+s19+$0x0] =	vst.idx.add.f32.msk $0xffff, v16  }
0xe5: {  	p1 =	slt.u32 s25, $0x316;
	v26 =	vmul.f32 v26, v36;
	v21 =	vld.idx.msk [tilespmem:v21+s12+$0x0], $0xffff  }
.Ltmp1:
0xe6: {  	v22 =	vunpack.i.u.bf16.f32 v17;
	[tilespmem:v14+s19+$0x0] =	vst.idx.add.f32.msk $0xffff, v24;
	v63 =	vunpack.i.u.bf16.f32 v25;
	v25 =	vunpack.i.l.bf16.f32 v25;
	(pc) =	sbr.rel @p1 .LBB2_6-.Ltmp1, $4  }
0xe7: {  	[tilespmem:v15+s20+$0x0] =	vst.idx.add.f32.msk $0xffff, v26;
	v26 =	vmul.f32 v22, v38;
	v24 =	vmul.f32 v25, v41  }
0xe8: {  	v17 =	vld.idx.msk [tilespmem:v23+s12+$0x0], $0xffff;
	v25 =	vmul.f32 v63, v41;
	v16 =	vunpack.i.u.bf16.f32 v19;
	v23 =	vunpack.i.l.bf16.f32 v19  }
0xe9: {  	[tilespmem:v14+s20+$0x0] =	vst.idx.add.f32.msk $0xffff, v26;
	v19 =	vunpack.i.u.bf16.f32 v20;
	v22 =	vunpack.i.l.bf16.f32 v20;
	v14 =	vunpack.i.u.bf16.f32 v27  }
0xea: {  	v20 =	vunpack.i.l.bf16.f32 v27;
	v15 =	vunpack.i.u.bf16.f32 v21;
	v21 =	vunpack.i.l.bf16.f32 v21  }
0xeb: {  	_ =	sdelay $0x3  }
0xec: {  	[tilespmem:v6+s19+$0x0] =	vst.idx.add.f32.msk $0xffff, v24;
	v23 =	vmul.f32 v23, v8  }
0xed: {  	v55 =	vmul.f32 v22, v10;
	[tilespmem:v6+s20+$0x0] =	vst.idx.add.f32.msk $0xffff, v25  }
0xee: {  	v57 =	vmul.f32 v21, v9;
	[tilespmem:v7+s19+$0x0] =	vst.idx.add.f32.msk $0xffff, v23  }
0xef: {  	v59 =	vmul.f32 v20, v13;
	[tilespmem:v5+s19+$0x0] =	vst.idx.add.f32.msk $0xffff, v55  }
0xf0: {  	v54 =	vmul.f32 v16, v8;
	[tilespmem:v4+s19+$0x0] =	vst.idx.add.f32.msk $0xffff, v57  }
0xf1: {  	v56 =	vmul.f32 v19, v10;
	[tilespmem:v3+s19+$0x0] =	vst.idx.add.f32.msk $0xffff, v59  }
0xf2: {  	v58 =	vmul.f32 v15, v9;
	[tilespmem:v7+s20+$0x0] =	vst.idx.add.f32.msk $0xffff, v54  }
0xf3: {  	v60 =	vunpack.i.l.bf16.f32 v18;
	v61 =	vmul.f32 v14, v13;
	[tilespmem:v5+s20+$0x0] =	vst.idx.add.f32.msk $0xffff, v56  }
0xf4: {  	v62 =	vunpack.i.u.bf16.f32 v18;
	v6 =	vmul.f32 v60, v12;
	[tilespmem:v4+s20+$0x0] =	vst.idx.add.f32.msk $0xffff, v58  }
0xf5: {  	v63 =	vunpack.i.l.bf16.f32 v17;
	v4 =	vmul.f32 v62, v12;
	[tilespmem:v3+s20+$0x0] =	vst.idx.add.f32.msk $0xffff, v61  }
0xf6: {  	v3 =	vunpack.i.u.bf16.f32 v17;
	v5 =	vmul.f32 v63, v11;
	[tilespmem:v2+s19+$0x0] =	vst.idx.add.f32.msk $0xffff, v6  }
0xf7: {  	v3 =	vmul.f32 v3, v11;
	[tilespmem:v2+s20+$0x0] =	vst.idx.add.f32.msk $0xffff, v4  }
0xf8: {  	[tilespmem:v1+s19+$0x0] =	vst.idx.add.f32.msk $0xffff, v5  }
0xf9: {  	[tilespmem:v1+s20+$0x0] =	vst.idx.add.f32.msk $0xffff, v3  }
0xfa: {  	p1 =	seq.s32 s24, $0x19  }
.Ltmp2:
0xfb: {  	_ = 	snop;
	(pc) =	sbr.rel @!p1 .LBB2_5-.Ltmp2, $2  }
0xfc: {  	_ =	sdelay $0x2  }
0xfd: {  	p0 =	por !p0, !p0  }
0xfe: {  	s0 =	rddreg [dreg:$0x7];
	s1 =	simm.s32 $0x3  }
0xff: {  	[hbm4b:s0+s3] =	stream.linear.scatter [tilespmem:s17], [sflag:$0x3], $0x2710, $0x38;
	[tilespmem:$0x1B500] =	vst v63  }
0x100: {  	_ =	swait.ge [sflag:s1], $0x2710  }
0x101: {  	[sflag:s1] =	ssyncset.done $0x0  }
0x102: {  	s28 =	rddreg [dreg:$0x8];
	[sflag:s1] =	ssyncadd.s32 $0xFFFFD8F0  }
0x103: {  	[hbm4b:s28+s3] =	stream.linear.scatter [tilespmem:s18], [sflag:$0x3], $0x2710, $0x38;
	[tilespmem:$0x1B500] =	vst v63  }
0x104: {  	_ =	swait.ge [sflag:s1], $0x2710  }
0x105: {  	[sflag:s1] =	ssyncset.done $0x0  }
0x106: {  	s29 =	rddreg [dreg:$0x9];
	[sflag:s1] =	ssyncadd.s32 $0xFFFFD8F0  }
0x107: {  	[hbm4b:s29+s3] =	stream.linear.scatter [tilespmem:s19], [sflag:$0x3], $0x2710, $0x38;
	[tilespmem:$0x1B500] =	vst v63  }
0x108: {  	_ =	swait.ge [sflag:s1], $0x2710  }
0x109: {  	[sflag:s1] =	ssyncset.done $0x0  }
0x10a: {  	s30 =	rddreg [dreg:$0xa];
	[sflag:s1] =	ssyncadd.s32 $0xFFFFD8F0  }
0x10b: {  	[hbm4b:s30+s3] =	stream.linear.scatter [tilespmem:s20], [sflag:$0x3], $0x2710, $0x38;
	[tilespmem:$0x1B500] =	vst v63  }
0x10c: {  	_ =	swait.ge [sflag:s1], $0x2710  }
0x10d: {  	s22 =	sadd.s32 $0x1, s22;
	s31 =	rddreg [dreg:$0xb]  }
0x10e: {  	p0 =	sne.s32 s22, s31  }
.Ltmp3:
0x10f: {  	_ = 	snop;
	(pc) =	sbr.rel @p0 .LBB2_1-.Ltmp3, $3  }
0x110: {  	_ =	sdelay $0x1  }
0x111: {  	[sflag:s1] =	ssyncset.done $0x0  }
0x112: {  	[sflag:s1] =	ssyncadd.s32 $0xFFFFD8F0  }
0x113: {  	_ =	sfence.sel $0x180000  }
0x114: {  	[bflag:$0x0] =	sbarrier.arrive $0xFFFF  }
0x115: {  	_ =	strace $0x90000047  }
0x116: {  	s0 =	stileid.u32;
	[bflag:$0x2] =	sbarrier.arrive $0xFFFF  }
0x117: {  	p0 =	sne.s32 s0, $0x0;
	s0 =	rddreg [dreg:$0x3]  }
0x118: {  	s0 =	sadd.s32 @!p0 $0x100000, s0  }
0x119: {  	[sflag:s0] =	ssyncadd.tile.s32 @!p0 $0x1;
	_ =	shalt  }
.Lfunc_end2:
_tile_overlayer_lowered:
.L_overlay_start_2:
0x11a: {  	(tag) =	ssettag $0x2  }
0x11b: {  	s0 =	rddreg [dreg:$0x0];
	s2 =	stileid.u32  }
0x11c: {  	s1 =	rddreg [dreg:$0x1];
	p0 =	sne.s32 s2, $0x0  }
0x11d: {  	s3 =	rddreg [dreg:$0x2];
	[bflag:$0x3] =	sbarrier.arrive $0xFFFF;
	s2 =	simm.s32 @!p0 $0x1C03  }
0x11e: {  	[timem:s3], [sflag:s2] =	dma.local @!p0 [hbm:s0], s1  }
0x11f: {  	s0 =	simm.s32 @!p0 $0x3  }
0x120: {  	_ =	swait.ge @!p0 [sflag:s0], s1  }
0x121: {  	s1 =	ssub.s32 @!p0 $0x0, s1;
	[sflag:s0] =	ssyncset.done @!p0 $0x0  }
0x122: {  	[sflag:s0] =	ssyncadd.s32 @!p0 s1  }
0x123: {  	[bflag:$0x3] =	sbarrier.arrive $0xFFFF  }
0x124: {  	_ =	shalt  }

</sc_bundles>
